<compile_context>
chip_gen: v7x
topology: tpu7x:2x2x1
jax: 0.10.2.dev20260603
libtpu: 0.0.44.dev20260713+nightly
codegen_flags: <defaults>
</compile_context>

<pallas_src>
import functools

import jax
import jax.numpy as jnp
from jax import lax
from jax.experimental import pallas as pl
from jax.experimental.pallas import tpu as pltpu
from jax.experimental.pallas import tpu_sc as plsc


def _tc_slabify_bf16(tabT):
    E, R = tabT.shape
    C = 32768
    nblk = (R + C - 1) // C

    def k(x_ref, o_ref):
        xb = x_ref[...].astype(jnp.bfloat16)
        xt = jnp.swapaxes(xb, 0, 1)
        xp = pltpu.bitcast(xt, jnp.float32)
        o_ref[...] = jnp.concatenate(
            [xp[q * (C // 8):(q + 1) * (C // 8), :] for q in range(4)], axis=1)

    return pl.pallas_call(
        k,
        grid=(nblk,),
        in_specs=[pl.BlockSpec((E, C), lambda i: (0, i))],
        out_specs=pl.BlockSpec((C // 8, 4 * E), lambda i: (i, 0)),
        out_shape=jax.ShapeDtypeStruct((nblk * (C // 8), 4 * E), jnp.float32),
    )(tabT)


def _sc_gather_slabs(artist_ids, genre_ids, atab4, gtab4):
    B = artist_ids.shape[0]
    info = plsc.get_sparse_core_info()
    NC, NS = info.num_cores, info.num_subcores
    NW = NC * NS
    bw = B // NW
    hw = bw // 2
    mesh = plsc.VectorSubcoreMesh(core_axis_name="c", subcore_axis_name="s")

    @functools.partial(
        pl.kernel,
        mesh=mesh,
        out_type=[
            jax.ShapeDtypeStruct((B, 128), jnp.float32),
            jax.ShapeDtypeStruct((B, 128), jnp.float32),
        ],
        scratch_types=[
            pltpu.VMEM((bw,), jnp.int32),
            pltpu.VMEM((bw,), jnp.int32),
            pltpu.VMEM((bw,), jnp.int32),
            pltpu.VMEM((bw,), jnp.int32),
            pltpu.VMEM((bw, 128), jnp.float32),
            pltpu.VMEM((hw, 128), jnp.float32),
            pltpu.SemaphoreType.DMA,
            pltpu.SemaphoreType.DMA,
        ],
    )
    def gather_k(aid_hbm, gid_hbm, atab_hbm, gtab_hbm, aout_hbm, gout_hbm,
                 aidx_v, gidx_v, aslab_v, gslab_v, abuf, gbuf, sem_a, sem_g):
        wid = lax.axis_index("s") * NC + lax.axis_index("c")
        base = wid * bw
        pltpu.sync_copy(aid_hbm.at[pl.ds(base, bw)], aidx_v)
        pltpu.sync_copy(gid_hbm.at[pl.ds(base, bw)], gidx_v)
        for k in range(bw // 16):
            sl = pl.ds(k * 16, 16)
            av = aidx_v[sl]
            aslab_v[sl] = (
                jnp.left_shift(jnp.right_shift(av, 15), 12)
                + jnp.bitwise_and(jnp.right_shift(av, 1), 4095)
            )
            gslab_v[sl] = jnp.right_shift(gidx_v[sl], 2)
        ca = pltpu.async_copy(atab_hbm.at[aslab_v], abuf, sem_a)
        for h in range(2):
            pltpu.async_copy(
                gtab_hbm.at[gslab_v.at[pl.ds(h * hw, hw)]], gbuf, sem_g
            ).wait()
            pltpu.sync_copy(gbuf, gout_hbm.at[pl.ds(base + h * hw, hw)])
        ca.wait()
        pltpu.sync_copy(abuf, aout_hbm.at[pl.ds(base, bw)])

    return gather_k(artist_ids, genre_ids, atab4, gtab4)


def _tc_mlp(a4, g4, meta, y2, wy_row, by_row, w1a, w1g, w1y,
            b1_row, w2, b2_row):
    B = a4.shape[0]
    E = wy_row.shape[1]
    HID = w1a.shape[1]
    OUT = w2.shape[1]
    BLK = 4096

    def mlp_k(a4_ref, g4_ref, meta_ref, y_ref, wy_ref, by_ref,
              w1a_ref, w1g_ref, w1y_ref, b1_ref, w2_ref, b2_ref, o_ref):
        m = jnp.swapaxes(meta_ref[...].reshape(1, BLK), 0, 1)
        asub = jnp.bitwise_and(m, 3)
        parity = jnp.bitwise_and(jnp.right_shift(m, 2), 1)
        gsub = jnp.bitwise_and(jnp.right_shift(m, 3), 3)
        ap = jnp.zeros((BLK, E), jnp.float32)
        g = jnp.zeros((BLK, E), jnp.float32)
        for k in range(4):
            ap = jnp.where(asub == k, a4_ref[:, k * E:(k + 1) * E], ap)
            g = jnp.where(gsub == k, g4_ref[:, k * E:(k + 1) * E], g)
        bits = pltpu.bitcast(ap, jnp.uint32)
        lo = pltpu.bitcast(jnp.left_shift(bits, 16), jnp.float32)
        hi = pltpu.bitcast(
            jnp.bitwise_and(bits, jnp.uint32(0xFFFF0000)), jnp.float32)
        a = jnp.where(parity == 1, hi, lo).astype(jnp.bfloat16)
        gb = g.astype(jnp.bfloat16)
        y_col = jnp.swapaxes(y_ref[...].reshape(1, BLK), 0, 1)
        y_emb = (y_col * wy_ref[...] + by_ref[...]).astype(jnp.bfloat16)
        pre = (
            jnp.dot(a, w1a_ref[...], preferred_element_type=jnp.float32)
            + jnp.dot(gb, w1g_ref[...], preferred_element_type=jnp.float32)
            + jnp.dot(y_emb, w1y_ref[...], preferred_element_type=jnp.float32)
            + b1_ref[...]
        )
        h = jnp.maximum(pre, 0.0).astype(jnp.bfloat16)
        o_ref[...] = jnp.dot(h, w2_ref[...], preferred_element_type=jnp.float32) + b2_ref[...]

    return pl.pallas_call(
        mlp_k,
        grid=(B // BLK,),
        in_specs=[
            pl.BlockSpec((BLK, 128), lambda i: (i, 0)),
            pl.BlockSpec((BLK, 128), lambda i: (i, 0)),
            pl.BlockSpec((1, 1, BLK), lambda i: (i, 0, 0)),
            pl.BlockSpec((1, 1, BLK), lambda i: (i, 0, 0)),
            pl.BlockSpec((1, E), lambda i: (0, 0)),
            pl.BlockSpec((1, E), lambda i: (0, 0)),
            pl.BlockSpec((E, HID), lambda i: (0, 0)),
            pl.BlockSpec((E, HID), lambda i: (0, 0)),
            pl.BlockSpec((E, HID), lambda i: (0, 0)),
            pl.BlockSpec((1, HID), lambda i: (0, 0)),
            pl.BlockSpec((HID, OUT), lambda i: (0, 0)),
            pl.BlockSpec((1, OUT), lambda i: (0, 0)),
        ],
        out_specs=pl.BlockSpec((BLK, OUT), lambda i: (i, 0)),
        out_shape=jax.ShapeDtypeStruct((B, OUT), jnp.float32),
    )(a4, g4, meta, y2, wy_row, by_row, w1a, w1g, w1y, b1_row, w2, b2_row)


def kernel(artist_ids, genre_ids, year_norms, artist_table, genre_table,
           Wy, by, W1, b1, W2, b2):
    E = artist_table.shape[1]
    B = artist_ids.shape[0]
    BLK = 4096
    aid = artist_ids.astype(jnp.int32)
    gid = genre_ids.astype(jnp.int32)
    atab4 = _tc_slabify_bf16(artist_table.T)
    gtab4 = genre_table.reshape(genre_table.shape[0] // 4, 4 * E)
    a4, g4 = _sc_gather_slabs(aid, gid, atab4, gtab4)
    meta = (
        jnp.bitwise_and(jnp.right_shift(aid, 13), 3)
        | jnp.left_shift(jnp.bitwise_and(aid, 1), 2)
        | jnp.left_shift(jnp.bitwise_and(gid, 3), 3)
    ).reshape(B // BLK, 1, BLK)
    y2 = year_norms.reshape(B // BLK, 1, BLK)
    wy_row = Wy.T
    by_row = by[None, :]
    w1a = W1[:, :E].T.astype(jnp.bfloat16)
    w1g = W1[:, E:2 * E].T.astype(jnp.bfloat16)
    w1y = W1[:, 2 * E:3 * E].T.astype(jnp.bfloat16)
    b1_row = b1[None, :]
    w2 = W2.T.astype(jnp.bfloat16)
    b2_row = b2[None, :]
    return _tc_mlp(a4, g4, meta, y2, wy_row, by_row, w1a, w1g, w1y,
                   b1_row, w2, b2_row)

# --- scband reference (transcript-rebuilt; emitter-appended) ---
"""Pipeline reference for scband-metadata-encoder-87617332838623 (READ-ONLY COPY).

The authoritative reference and input builder live on the scoring server;
editing this copy changes nothing except your own understanding.
"""

import jax, jax.numpy as jnp
import numpy as np

B = 16384
ARTIST_V = 1000000
GENRE_V = 1000
E = 32
OUT = 64
TOTAL = E * 3
HID = TOTAL // 2


def setup_inputs(seed: int = 0) -> dict:
    key = jax.random.key(seed)
    ks = jax.random.split(key, 10)
    artist_ids = jax.random.randint(ks[0], (B,), 0, ARTIST_V, dtype=jnp.int64) if jax.config.jax_enable_x64 else jax.random.randint(ks[0], (B,), 0, ARTIST_V, dtype=jnp.int32)
    genre_ids = jax.random.randint(ks[1], (B,), 0, GENRE_V, dtype=jnp.int32)
    year_norms = jax.random.uniform(ks[2], (B,), dtype=jnp.float32)
    artist_table = jax.random.normal(ks[3], (ARTIST_V, E), dtype=jnp.float32) * 0.02
    genre_table = jax.random.normal(ks[4], (GENRE_V, E), dtype=jnp.float32) * 0.02
    Wy = jax.random.normal(ks[5], (E, 1), dtype=jnp.float32) * 0.5
    by = jnp.zeros((E,), dtype=jnp.float32)
    W1 = jax.random.normal(ks[6], (HID, TOTAL), dtype=jnp.float32) * (1.0 / np.sqrt(TOTAL))
    b1 = jnp.zeros((HID,), dtype=jnp.float32)
    W2 = jax.random.normal(ks[7], (OUT, HID), dtype=jnp.float32) * (1.0 / np.sqrt(HID))
    b2 = jnp.zeros((OUT,), dtype=jnp.float32)
    return {"artist_ids": artist_ids, "genre_ids": genre_ids, "year_norms": year_norms,
            "artist_table": artist_table, "genre_table": genre_table,
            "Wy": Wy, "by": by, "W1": W1, "b1": b1, "W2": W2, "b2": b2}


def reference(artist_ids, genre_ids, year_norms, artist_table, genre_table, Wy, by, W1, b1, W2, b2):
    artist_emb = jnp.take(artist_table, artist_ids, axis=0)
    genre_emb = jnp.take(genre_table, genre_ids, axis=0)
    year_emb = year_norms[:, None] @ Wy.T + by
    combined = jnp.concatenate([artist_emb, genre_emb, year_emb], axis=-1)
    h = jax.nn.relu(combined @ W1.T + b1)
    # dropout is identity in eval mode
    out = h @ W2.T + b2
    return out

if __name__ == "__main__":
    import jax
    _d = setup_inputs()
    print(jax.jit(kernel)(*tuple(_d.values())))

</pallas_src>

<mosaic_0001>
#map = affine_map<(d0, d1) -> (0)>
#map1 = affine_map<(d0, d1) -> (0, 0)>
module attributes {stable_mosaic.version = 14 : i64} {
  func.func @gather_k(%arg0: i32, %arg1: i32, %arg2: memref<16384xi32, #tpu.memory_space<hbm>>, %arg3: memref<16384xi32, #tpu.memory_space<hbm>>, %arg4: memref<126976x128xf32, #tpu.memory_space<hbm>>, %arg5: memref<250x128xf32, #tpu.memory_space<hbm>>, %arg6: memref<16384x128xf32, #tpu.memory_space<hbm>>, %arg7: memref<16384x128xf32, #tpu.memory_space<hbm>>, %arg8: memref<512xi32, #tpu.memory_space<vmem>>, %arg9: memref<512xi32, #tpu.memory_space<vmem>>, %arg10: memref<512xi32, #tpu.memory_space<vmem>>, %arg11: memref<512xi32, #tpu.memory_space<vmem>>, %arg12: memref<512x128xf32, #tpu.memory_space<vmem>>, %arg13: memref<256x128xf32, #tpu.memory_space<vmem>>, %arg14: memref<!tpu.dma_semaphore, #tpu.memory_space<semaphore_mem>>, %arg15: memref<!tpu.dma_semaphore, #tpu.memory_space<semaphore_mem>>) attributes {dimension_semantics = [#tpu.dimension_semantics<core_parallel>, #tpu.dimension_semantics<subcore_parallel>], iteration_bounds = array<i64: 2, 16>, scalar_prefetch = 0 : i64, scratch_operands = 8 : i64, tpu.core_type = #tpu.core_type<sc_vector_subcore>, window_params = [{transform_indices = #map}, {transform_indices = #map}, {transform_indices = #map1}, {transform_indices = #map1}, {transform_indices = #map1}, {transform_indices = #map1}]} {
    %mul3A = arith.constant 2 : i32
    %mul3A_0 = arith.muli %arg1, %mul3A : i32
    %add3A = arith.addi %mul3A_0, %arg0 : i32
    %mul3A_1 = arith.constant 512 : i32
    %mul3A_2 = arith.muli %add3A, %mul3A_1 : i32
    "tpu.region"() ({
      %run_scoped3A = tpu.sem_alloc : memref<!tpu.dma_semaphore, #tpu.memory_space<semaphore_mem>>
      %dma_start3A_986 = tpu.memref_slice %arg2[%mul3A_2] : memref<16384xi32, #tpu.memory_space<hbm>> -> memref<512xi32, #tpu.memory_space<hbm>>
      %dma_start3A_987 = tpu.memref_slice %arg2[%mul3A_2] : memref<16384xi32, #tpu.memory_space<hbm>> -> memref<512xi32, #tpu.memory_space<hbm>>
      tpu.enqueue_dma source(%dma_start3A_987 : memref<512xi32, #tpu.memory_space<hbm>>) target(%arg8 : memref<512xi32, #tpu.memory_space<vmem>>) target_semaphore(%run_scoped3A : memref<!tpu.dma_semaphore, #tpu.memory_space<semaphore_mem>>)
      %dma_wait3A_988 = tpu.memref_slice %arg2[%mul3A_2] : memref<16384xi32, #tpu.memory_space<hbm>> -> memref<512xi32, #tpu.memory_space<hbm>>
      %dma_wait3A_989 = tpu.memref_slice %arg2[%mul3A_2] : memref<16384xi32, #tpu.memory_space<hbm>> -> memref<512xi32, #tpu.memory_space<hbm>>
      tpu.wait_dma2 semaphore(%run_scoped3A : memref<!tpu.dma_semaphore, #tpu.memory_space<semaphore_mem>>) src(%dma_wait3A_989 : memref<512xi32, #tpu.memory_space<hbm>>) dst(%arg8 : memref<512xi32, #tpu.memory_space<vmem>>)
      tpu.yield
    }) : () -> ()
    "tpu.region"() ({
      %run_scoped3A = tpu.sem_alloc : memref<!tpu.dma_semaphore, #tpu.memory_space<semaphore_mem>>
      %dma_start3A_986 = tpu.memref_slice %arg3[%mul3A_2] : memref<16384xi32, #tpu.memory_space<hbm>> -> memref<512xi32, #tpu.memory_space<hbm>>
      %dma_start3A_987 = tpu.memref_slice %arg3[%mul3A_2] : memref<16384xi32, #tpu.memory_space<hbm>> -> memref<512xi32, #tpu.memory_space<hbm>>
      tpu.enqueue_dma source(%dma_start3A_987 : memref<512xi32, #tpu.memory_space<hbm>>) target(%arg9 : memref<512xi32, #tpu.memory_space<vmem>>) target_semaphore(%run_scoped3A : memref<!tpu.dma_semaphore, #tpu.memory_space<semaphore_mem>>)
      %dma_wait3A_988 = tpu.memref_slice %arg3[%mul3A_2] : memref<16384xi32, #tpu.memory_space<hbm>> -> memref<512xi32, #tpu.memory_space<hbm>>
      %dma_wait3A_989 = tpu.memref_slice %arg3[%mul3A_2] : memref<16384xi32, #tpu.memory_space<hbm>> -> memref<512xi32, #tpu.memory_space<hbm>>
      tpu.wait_dma2 semaphore(%run_scoped3A : memref<!tpu.dma_semaphore, #tpu.memory_space<semaphore_mem>>) src(%dma_wait3A_989 : memref<512xi32, #tpu.memory_space<hbm>>) dst(%arg9 : memref<512xi32, #tpu.memory_space<vmem>>)
      tpu.yield
    }) : () -> ()
    %get3A = arith.constant 0 : index
    %get3A_3 = tpu.vector_load %arg8[%get3A] {strides = array<i32>} : memref<512xi32, #tpu.memory_space<vmem>>, vector<16xi32>,
    %get3A_4 = vector.shape_cast %get3A_3 : vector<16xi32> to vector<16xi32>
    %shift_right_arithmetic3A = arith.constant 15 : i32
    %shift_right_arithmetic3A_5 = vector.broadcast %shift_right_arithmetic3A : i32 to vector<16xi32>
    %shift_right_arithmetic3A_6 = arith.shrsi %get3A_4, %shift_right_arithmetic3A_5 : vector<16xi32>
    %shift_left3A = arith.constant 12 : i32
    %shift_left3A_7 = vector.broadcast %shift_left3A : i32 to vector<16xi32>
    %shift_left3A_8 = arith.shli %shift_right_arithmetic3A_6, %shift_left3A_7 : vector<16xi32>
    %shift_right_arithmetic3A_9 = arith.constant 1 : i32
    %shift_right_arithmetic3A_10 = vector.broadcast %shift_right_arithmetic3A_9 : i32 to vector<16xi32>
    %shift_right_arithmetic3A_11 = arith.shrsi %get3A_4, %shift_right_arithmetic3A_10 : vector<16xi32>
    %and3A = arith.constant 4095 : i32
    %and3A_12 = vector.broadcast %and3A : i32 to vector<16xi32>
    %and3A_13 = arith.andi %shift_right_arithmetic3A_11, %and3A_12 : vector<16xi32>
    %add3A_14 = arith.addi %shift_left3A_8, %and3A_13 : vector<16xi32>
    %swap3A = arith.constant 0 : index
    %swap3A_15 = tpu.vector_load %arg10[%swap3A] {strides = array<i32>} : memref<512xi32, #tpu.memory_space<vmem>>, vector<16xi32>,
    %swap3A_16 = vector.shape_cast %swap3A_15 : vector<16xi32> to vector<16xi32>
    %swap3A_17 = vector.shape_cast %add3A_14 : vector<16xi32> to vector<16xi32>
    tpu.vector_store %arg10[%swap3A], %swap3A_17 {strides = array<i32>} : memref<512xi32, #tpu.memory_space<vmem>>, vector<16xi32>,
    %get3A_18 = arith.constant 0 : index
    %get3A_19 = tpu.vector_load %arg9[%get3A_18] {strides = array<i32>} : memref<512xi32, #tpu.memory_space<vmem>>, vector<16xi32>,
    %get3A_20 = vector.shape_cast %get3A_19 : vector<16xi32> to vector<16xi32>
    %shift_right_arithmetic3A_21 = arith.constant 2 : i32
    %shift_right_arithmetic3A_22 = vector.broadcast %shift_right_arithmetic3A_21 : i32 to vector<16xi32>
    %shift_right_arithmetic3A_23 = arith.shrsi %get3A_20, %shift_right_arithmetic3A_22 : vector<16xi32>
    %swap3A_24 = arith.constant 0 : index
    %swap3A_25 = tpu.vector_load %arg11[%swap3A_24] {strides = array<i32>} : memref<512xi32, #tpu.memory_space<vmem>>, vector<16xi32>,
    %swap3A_26 = vector.shape_cast %swap3A_25 : vector<16xi32> to vector<16xi32>
    %swap3A_27 = vector.shape_cast %shift_right_arithmetic3A_23 : vector<16xi32> to vector<16xi32>
    tpu.vector_store %arg11[%swap3A_24], %swap3A_27 {strides = array<i32>} : memref<512xi32, #tpu.memory_space<vmem>>, vector<16xi32>,
    %get3A_28 = arith.constant 16 : index
    %get3A_29 = tpu.vector_load %arg8[%get3A_28] {strides = array<i32>} : memref<512xi32, #tpu.memory_space<vmem>>, vector<16xi32>,
    %get3A_30 = vector.shape_cast %get3A_29 : vector<16xi32> to vector<16xi32>
    %shift_right_arithmetic3A_31 = arith.constant 15 : i32
    %shift_right_arithmetic3A_32 = vector.broadcast %shift_right_arithmetic3A_31 : i32 to vector<16xi32>
    %shift_right_arithmetic3A_33 = arith.shrsi %get3A_30, %shift_right_arithmetic3A_32 : vector<16xi32>
    %shift_left3A_34 = arith.constant 12 : i32
    %shift_left3A_35 = vector.broadcast %shift_left3A_34 : i32 to vector<16xi32>
    %shift_left3A_36 = arith.shli %shift_right_arithmetic3A_33, %shift_left3A_35 : vector<16xi32>
    %shift_right_arithmetic3A_37 = arith.constant 1 : i32
    %shift_right_arithmetic3A_38 = vector.broadcast %shift_right_arithmetic3A_37 : i32 to vector<16xi32>
    %shift_right_arithmetic3A_39 = arith.shrsi %get3A_30, %shift_right_arithmetic3A_38 : vector<16xi32>
    %and3A_40 = arith.constant 4095 : i32
    %and3A_41 = vector.broadcast %and3A_40 : i32 to vector<16xi32>
    %and3A_42 = arith.andi %shift_right_arithmetic3A_39, %and3A_41 : vector<16xi32>
    %add3A_43 = arith.addi %shift_left3A_36, %and3A_42 : vector<16xi32>
    %swap3A_44 = arith.constant 16 : index
    %swap3A_45 = tpu.vector_load %arg10[%swap3A_44] {strides = array<i32>} : memref<512xi32, #tpu.memory_space<vmem>>, vector<16xi32>,
    %swap3A_46 = vector.shape_cast %swap3A_45 : vector<16xi32> to vector<16xi32>
    %swap3A_47 = vector.shape_cast %add3A_43 : vector<16xi32> to vector<16xi32>
    tpu.vector_store %arg10[%swap3A_44], %swap3A_47 {strides = array<i32>} : memref<512xi32, #tpu.memory_space<vmem>>, vector<16xi32>,
    %get3A_48 = arith.constant 16 : index
    %get3A_49 = tpu.vector_load %arg9[%get3A_48] {strides = array<i32>} : memref<512xi32, #tpu.memory_space<vmem>>, vector<16xi32>,
    %get3A_50 = vector.shape_cast %get3A_49 : vector<16xi32> to vector<16xi32>
    %shift_right_arithmetic3A_51 = arith.constant 2 : i32
    %shift_right_arithmetic3A_52 = vector.broadcast %shift_right_arithmetic3A_51 : i32 to vector<16xi32>
    %shift_right_arithmetic3A_53 = arith.shrsi %get3A_50, %shift_right_arithmetic3A_52 : vector<16xi32>
    %swap3A_54 = arith.constant 16 : index
    %swap3A_55 = tpu.vector_load %arg11[%swap3A_54] {strides = array<i32>} : memref<512xi32, #tpu.memory_space<vmem>>, vector<16xi32>,
    %swap3A_56 = vector.shape_cast %swap3A_55 : vector<16xi32> to vector<16xi32>
    %swap3A_57 = vector.shape_cast %shift_right_arithmetic3A_53 : vector<16xi32> to vector<16xi32>
    tpu.vector_store %arg11[%swap3A_54], %swap3A_57 {strides = array<i32>} : memref<512xi32, #tpu.memory_space<vmem>>, vector<16xi32>,
    %get3A_58 = arith.constant 32 : index
    %get3A_59 = tpu.vector_load %arg8[%get3A_58] {strides = array<i32>} : memref<512xi32, #tpu.memory_space<vmem>>, vector<16xi32>,
    %get3A_60 = vector.shape_cast %get3A_59 : vector<16xi32> to vector<16xi32>
    %shift_right_arithmetic3A_61 = arith.constant 15 : i32
    %shift_right_arithmetic3A_62 = vector.broadcast %shift_right_arithmetic3A_61 : i32 to vector<16xi32>
    %shift_right_arithmetic3A_63 = arith.shrsi %get3A_60, %shift_right_arithmetic3A_62 : vector<16xi32>
    %shift_left3A_64 = arith.constant 12 : i32
    %shift_left3A_65 = vector.broadcast %shift_left3A_64 : i32 to vector<16xi32>
    %shift_left3A_66 = arith.shli %shift_right_arithmetic3A_63, %shift_left3A_65 : vector<16xi32>
    %shift_right_arithmetic3A_67 = arith.constant 1 : i32
    %shift_right_arithmetic3A_68 = vector.broadcast %shift_right_arithmetic3A_67 : i32 to vector<16xi32>
    %shift_right_arithmetic3A_69 = arith.shrsi %get3A_60, %shift_right_arithmetic3A_68 : vector<16xi32>
    %and3A_70 = arith.constant 4095 : i32
    %and3A_71 = vector.broadcast %and3A_70 : i32 to vector<16xi32>
    %and3A_72 = arith.andi %shift_right_arithmetic3A_69, %and3A_71 : vector<16xi32>
    %add3A_73 = arith.addi %shift_left3A_66, %and3A_72 : vector<16xi32>
    %swap3A_74 = arith.constant 32 : index
    %swap3A_75 = tpu.vector_load %arg10[%swap3A_74] {strides = array<i32>} : memref<512xi32, #tpu.memory_space<vmem>>, vector<16xi32>,
    %swap3A_76 = vector.shape_cast %swap3A_75 : vector<16xi32> to vector<16xi32>
    %swap3A_77 = vector.shape_cast %add3A_73 : vector<16xi32> to vector<16xi32>
    tpu.vector_store %arg10[%swap3A_74], %swap3A_77 {strides = array<i32>} : memref<512xi32, #tpu.memory_space<vmem>>, vector<16xi32>,
    %get3A_78 = arith.constant 32 : index
    %get3A_79 = tpu.vector_load %arg9[%get3A_78] {strides = array<i32>} : memref<512xi32, #tpu.memory_space<vmem>>, vector<16xi32>,
    %get3A_80 = vector.shape_cast %get3A_79 : vector<16xi32> to vector<16xi32>
    %shift_right_arithmetic3A_81 = arith.constant 2 : i32
    %shift_right_arithmetic3A_82 = vector.broadcast %shift_right_arithmetic3A_81 : i32 to vector<16xi32>
    %shift_right_arithmetic3A_83 = arith.shrsi %get3A_80, %shift_right_arithmetic3A_82 : vector<16xi32>
    %swap3A_84 = arith.constant 32 : index
    %swap3A_85 = tpu.vector_load %arg11[%swap3A_84] {strides = array<i32>} : memref<512xi32, #tpu.memory_space<vmem>>, vector<16xi32>,
    %swap3A_86 = vector.shape_cast %swap3A_85 : vector<16xi32> to vector<16xi32>
    %swap3A_87 = vector.shape_cast %shift_right_arithmetic3A_83 : vector<16xi32> to vector<16xi32>
    tpu.vector_store %arg11[%swap3A_84], %swap3A_87 {strides = array<i32>} : memref<512xi32, #tpu.memory_space<vmem>>, vector<16xi32>,
    %get3A_88 = arith.constant 48 : index
    %get3A_89 = tpu.vector_load %arg8[%get3A_88] {strides = array<i32>} : memref<512xi32, #tpu.memory_space<vmem>>, vector<16xi32>,
    %get3A_90 = vector.shape_cast %get3A_89 : vector<16xi32> to vector<16xi32>
    %shift_right_arithmetic3A_91 = arith.constant 15 : i32
    %shift_right_arithmetic3A_92 = vector.broadcast %shift_right_arithmetic3A_91 : i32 to vector<16xi32>
    %shift_right_arithmetic3A_93 = arith.shrsi %get3A_90, %shift_right_arithmetic3A_92 : vector<16xi32>
    %shift_left3A_94 = arith.constant 12 : i32
    %shift_left3A_95 = vector.broadcast %shift_left3A_94 : i32 to vector<16xi32>
    %shift_left3A_96 = arith.shli %shift_right_arithmetic3A_93, %shift_left3A_95 : vector<16xi32>
    %shift_right_arithmetic3A_97 = arith.constant 1 : i32
    %shift_right_arithmetic3A_98 = vector.broadcast %shift_right_arithmetic3A_97 : i32 to vector<16xi32>
    %shift_right_arithmetic3A_99 = arith.shrsi %get3A_90, %shift_right_arithmetic3A_98 : vector<16xi32>
    %and3A_100 = arith.constant 4095 : i32
    %and3A_101 = vector.broadcast %and3A_100 : i32 to vector<16xi32>
    %and3A_102 = arith.andi %shift_right_arithmetic3A_99, %and3A_101 : vector<16xi32>
    %add3A_103 = arith.addi %shift_left3A_96, %and3A_102 : vector<16xi32>
    %swap3A_104 = arith.constant 48 : index
    %swap3A_105 = tpu.vector_load %arg10[%swap3A_104] {strides = array<i32>} : memref<512xi32, #tpu.memory_space<vmem>>, vector<16xi32>,
    %swap3A_106 = vector.shape_cast %swap3A_105 : vector<16xi32> to vector<16xi32>
    %swap3A_107 = vector.shape_cast %add3A_103 : vector<16xi32> to vector<16xi32>
    tpu.vector_store %arg10[%swap3A_104], %swap3A_107 {strides = array<i32>} : memref<512xi32, #tpu.memory_space<vmem>>, vector<16xi32>,
    %get3A_108 = arith.constant 48 : index
    %get3A_109 = tpu.vector_load %arg9[%get3A_108] {strides = array<i32>} : memref<512xi32, #tpu.memory_space<vmem>>, vector<16xi32>,
    %get3A_110 = vector.shape_cast %get3A_109 : vector<16xi32> to vector<16xi32>
    %shift_right_arithmetic3A_111 = arith.constant 2 : i32
    %shift_right_arithmetic3A_112 = vector.broadcast %shift_right_arithmetic3A_111 : i32 to vector<16xi32>
    %shift_right_arithmetic3A_113 = arith.shrsi %get3A_110, %shift_right_arithmetic3A_112 : vector<16xi32>
    %swap3A_114 = arith.constant 48 : index
    %swap3A_115 = tpu.vector_load %arg11[%swap3A_114] {strides = array<i32>} : memref<512xi32, #tpu.memory_space<vmem>>, vector<16xi32>,
    %swap3A_116 = vector.shape_cast %swap3A_115 : vector<16xi32> to vector<16xi32>
    %swap3A_117 = vector.shape_cast %shift_right_arithmetic3A_113 : vector<16xi32> to vector<16xi32>
    tpu.vector_store %arg11[%swap3A_114], %swap3A_117 {strides = array<i32>} : memref<512xi32, #tpu.memory_space<vmem>>, vector<16xi32>,
    %get3A_118 = arith.constant 64 : index
    %get3A_119 = tpu.vector_load %arg8[%get3A_118] {strides = array<i32>} : memref<512xi32, #tpu.memory_space<vmem>>, vector<16xi32>,
    %get3A_120 = vector.shape_cast %get3A_119 : vector<16xi32> to vector<16xi32>
    %shift_right_arithmetic3A_121 = arith.constant 15 : i32
    %shift_right_arithmetic3A_122 = vector.broadcast %shift_right_arithmetic3A_121 : i32 to vector<16xi32>
    %shift_right_arithmetic3A_123 = arith.shrsi %get3A_120, %shift_right_arithmetic3A_122 : vector<16xi32>
    %shift_left3A_124 = arith.constant 12 : i32
    %shift_left3A_125 = vector.broadcast %shift_left3A_124 : i32 to vector<16xi32>
    %shift_left3A_126 = arith.shli %shift_right_arithmetic3A_123, %shift_left3A_125 : vector<16xi32>
    %shift_right_arithmetic3A_127 = arith.constant 1 : i32
    %shift_right_arithmetic3A_128 = vector.broadcast %shift_right_arithmetic3A_127 : i32 to vector<16xi32>
    %shift_right_arithmetic3A_129 = arith.shrsi %get3A_120, %shift_right_arithmetic3A_128 : vector<16xi32>
    %and3A_130 = arith.constant 4095 : i32
    %and3A_131 = vector.broadcast %and3A_130 : i32 to vector<16xi32>
    %and3A_132 = arith.andi %shift_right_arithmetic3A_129, %and3A_131 : vector<16xi32>
    %add3A_133 = arith.addi %shift_left3A_126, %and3A_132 : vector<16xi32>
    %swap3A_134 = arith.constant 64 : index
    %swap3A_135 = tpu.vector_load %arg10[%swap3A_134] {strides = array<i32>} : memref<512xi32, #tpu.memory_space<vmem>>, vector<16xi32>,
    %swap3A_136 = vector.shape_cast %swap3A_135 : vector<16xi32> to vector<16xi32>
    %swap3A_137 = vector.shape_cast %add3A_133 : vector<16xi32> to vector<16xi32>
    tpu.vector_store %arg10[%swap3A_134], %swap3A_137 {strides = array<i32>} : memref<512xi32, #tpu.memory_space<vmem>>, vector<16xi32>,
    %get3A_138 = arith.constant 64 : index
    %get3A_139 = tpu.vector_load %arg9[%get3A_138] {strides = array<i32>} : memref<512xi32, #tpu.memory_space<vmem>>, vector<16xi32>,
    %get3A_140 = vector.shape_cast %get3A_139 : vector<16xi32> to vector<16xi32>
    %shift_right_arithmetic3A_141 = arith.constant 2 : i32
    %shift_right_arithmetic3A_142 = vector.broadcast %shift_right_arithmetic3A_141 : i32 to vector<16xi32>
    %shift_right_arithmetic3A_143 = arith.shrsi %get3A_140, %shift_right_arithmetic3A_142 : vector<16xi32>
    %swap3A_144 = arith.constant 64 : index
    %swap3A_145 = tpu.vector_load %arg11[%swap3A_144] {strides = array<i32>} : memref<512xi32, #tpu.memory_space<vmem>>, vector<16xi32>,
    %swap3A_146 = vector.shape_cast %swap3A_145 : vector<16xi32> to vector<16xi32>
    %swap3A_147 = vector.shape_cast %shift_right_arithmetic3A_143 : vector<16xi32> to vector<16xi32>
    tpu.vector_store %arg11[%swap3A_144], %swap3A_147 {strides = array<i32>} : memref<512xi32, #tpu.memory_space<vmem>>, vector<16xi32>,
    %get3A_148 = arith.constant 80 : index
    %get3A_149 = tpu.vector_load %arg8[%get3A_148] {strides = array<i32>} : memref<512xi32, #tpu.memory_space<vmem>>, vector<16xi32>,
    %get3A_150 = vector.shape_cast %get3A_149 : vector<16xi32> to vector<16xi32>
    %shift_right_arithmetic3A_151 = arith.constant 15 : i32
    %shift_right_arithmetic3A_152 = vector.broadcast %shift_right_arithmetic3A_151 : i32 to vector<16xi32>
    %shift_right_arithmetic3A_153 = arith.shrsi %get3A_150, %shift_right_arithmetic3A_152 : vector<16xi32>
    %shift_left3A_154 = arith.constant 12 : i32
    %shift_left3A_155 = vector.broadcast %shift_left3A_154 : i32 to vector<16xi32>
    %shift_left3A_156 = arith.shli %shift_right_arithmetic3A_153, %shift_left3A_155 : vector<16xi32>
    %shift_right_arithmetic3A_157 = arith.constant 1 : i32
    %shift_right_arithmetic3A_158 = vector.broadcast %shift_right_arithmetic3A_157 : i32 to vector<16xi32>
    %shift_right_arithmetic3A_159 = arith.shrsi %get3A_150, %shift_right_arithmetic3A_158 : vector<16xi32>
    %and3A_160 = arith.constant 4095 : i32
    %and3A_161 = vector.broadcast %and3A_160 : i32 to vector<16xi32>
    %and3A_162 = arith.andi %shift_right_arithmetic3A_159, %and3A_161 : vector<16xi32>
    %add3A_163 = arith.addi %shift_left3A_156, %and3A_162 : vector<16xi32>
    %swap3A_164 = arith.constant 80 : index
    %swap3A_165 = tpu.vector_load %arg10[%swap3A_164] {strides = array<i32>} : memref<512xi32, #tpu.memory_space<vmem>>, vector<16xi32>,
    %swap3A_166 = vector.shape_cast %swap3A_165 : vector<16xi32> to vector<16xi32>
    %swap3A_167 = vector.shape_cast %add3A_163 : vector<16xi32> to vector<16xi32>
    tpu.vector_store %arg10[%swap3A_164], %swap3A_167 {strides = array<i32>} : memref<512xi32, #tpu.memory_space<vmem>>, vector<16xi32>,
    %get3A_168 = arith.constant 80 : index
    %get3A_169 = tpu.vector_load %arg9[%get3A_168] {strides = array<i32>} : memref<512xi32, #tpu.memory_space<vmem>>, vector<16xi32>,
    %get3A_170 = vector.shape_cast %get3A_169 : vector<16xi32> to vector<16xi32>
    %shift_right_arithmetic3A_171 = arith.constant 2 : i32
    %shift_right_arithmetic3A_172 = vector.broadcast %shift_right_arithmetic3A_171 : i32 to vector<16xi32>
    %shift_right_arithmetic3A_173 = arith.shrsi %get3A_170, %shift_right_arithmetic3A_172 : vector<16xi32>
    %swap3A_174 = arith.constant 80 : index
    %swap3A_175 = tpu.vector_load %arg11[%swap3A_174] {strides = array<i32>} : memref<512xi32, #tpu.memory_space<vmem>>, vector<16xi32>,
    %swap3A_176 = vector.shape_cast %swap3A_175 : vector<16xi32> to vector<16xi32>
    %swap3A_177 = vector.shape_cast %shift_right_arithmetic3A_173 : vector<16xi32> to vector<16xi32>
    tpu.vector_store %arg11[%swap3A_174], %swap3A_177 {strides = array<i32>} : memref<512xi32, #tpu.memory_space<vmem>>, vector<16xi32>,
    %get3A_178 = arith.constant 96 : index
    %get3A_179 = tpu.vector_load %arg8[%get3A_178] {strides = array<i32>} : memref<512xi32, #tpu.memory_space<vmem>>, vector<16xi32>,
    %get3A_180 = vector.shape_cast %get3A_179 : vector<16xi32> to vector<16xi32>
    %shift_right_arithmetic3A_181 = arith.constant 15 : i32
    %shift_right_arithmetic3A_182 = vector.broadcast %shift_right_arithmetic3A_181 : i32 to vector<16xi32>
    %shift_right_arithmetic3A_183 = arith.shrsi %get3A_180, %shift_right_arithmetic3A_182 : vector<16xi32>
    %shift_left3A_184 = arith.constant 12 : i32
    %shift_left3A_185 = vector.broadcast %shift_left3A_184 : i32 to vector<16xi32>
    %shift_left3A_186 = arith.shli %shift_right_arithmetic3A_183, %shift_left3A_185 : vector<16xi32>
    %shift_right_arithmetic3A_187 = arith.constant 1 : i32
    %shift_right_arithmetic3A_188 = vector.broadcast %shift_right_arithmetic3A_187 : i32 to vector<16xi32>
    %shift_right_arithmetic3A_189 = arith.shrsi %get3A_180, %shift_right_arithmetic3A_188 : vector<16xi32>
    %and3A_190 = arith.constant 4095 : i32
    %and3A_191 = vector.broadcast %and3A_190 : i32 to vector<16xi32>
    %and3A_192 = arith.andi %shift_right_arithmetic3A_189, %and3A_191 : vector<16xi32>
    %add3A_193 = arith.addi %shift_left3A_186, %and3A_192 : vector<16xi32>
    %swap3A_194 = arith.constant 96 : index
    %swap3A_195 = tpu.vector_load %arg10[%swap3A_194] {strides = array<i32>} : memref<512xi32, #tpu.memory_space<vmem>>, vector<16xi32>,
    %swap3A_196 = vector.shape_cast %swap3A_195 : vector<16xi32> to vector<16xi32>
    %swap3A_197 = vector.shape_cast %add3A_193 : vector<16xi32> to vector<16xi32>
    tpu.vector_store %arg10[%swap3A_194], %swap3A_197 {strides = array<i32>} : memref<512xi32, #tpu.memory_space<vmem>>, vector<16xi32>,
    %get3A_198 = arith.constant 96 : index
    %get3A_199 = tpu.vector_load %arg9[%get3A_198] {strides = array<i32>} : memref<512xi32, #tpu.memory_space<vmem>>, vector<16xi32>,
    %get3A_200 = vector.shape_cast %get3A_199 : vector<16xi32> to vector<16xi32>
    %shift_right_arithmetic3A_201 = arith.constant 2 : i32
    %shift_right_arithmetic3A_202 = vector.broadcast %shift_right_arithmetic3A_201 : i32 to vector<16xi32>
    %shift_right_arithmetic3A_203 = arith.shrsi %get3A_200, %shift_right_arithmetic3A_202 : vector<16xi32>
    %swap3A_204 = arith.constant 96 : index
    %swap3A_205 = tpu.vector_load %arg11[%swap3A_204] {strides = array<i32>} : memref<512xi32, #tpu.memory_space<vmem>>, vector<16xi32>,
    %swap3A_206 = vector.shape_cast %swap3A_205 : vector<16xi32> to vector<16xi32>
    %swap3A_207 = vector.shape_cast %shift_right_arithmetic3A_203 : vector<16xi32> to vector<16xi32>
    tpu.vector_store %arg11[%swap3A_204], %swap3A_207 {strides = array<i32>} : memref<512xi32, #tpu.memory_space<vmem>>, vector<16xi32>,
    %get3A_208 = arith.constant 112 : index
    %get3A_209 = tpu.vector_load %arg8[%get3A_208] {strides = array<i32>} : memref<512xi32, #tpu.memory_space<vmem>>, vector<16xi32>,
    %get3A_210 = vector.shape_cast %get3A_209 : vector<16xi32> to vector<16xi32>
    %shift_right_arithmetic3A_211 = arith.constant 15 : i32
    %shift_right_arithmetic3A_212 = vector.broadcast %shift_right_arithmetic3A_211 : i32 to vector<16xi32>
    %shift_right_arithmetic3A_213 = arith.shrsi %get3A_210, %shift_right_arithmetic3A_212 : vector<16xi32>
    %shift_left3A_214 = arith.constant 12 : i32
    %shift_left3A_215 = vector.broadcast %shift_left3A_214 : i32 to vector<16xi32>
    %shift_left3A_216 = arith.shli %shift_right_arithmetic3A_213, %shift_left3A_215 : vector<16xi32>
    %shift_right_arithmetic3A_217 = arith.constant 1 : i32
    %shift_right_arithmetic3A_218 = vector.broadcast %shift_right_arithmetic3A_217 : i32 to vector<16xi32>
    %shift_right_arithmetic3A_219 = arith.shrsi %get3A_210, %shift_right_arithmetic3A_218 : vector<16xi32>
    %and3A_220 = arith.constant 4095 : i32
    %and3A_221 = vector.broadcast %and3A_220 : i32 to vector<16xi32>
    %and3A_222 = arith.andi %shift_right_arithmetic3A_219, %and3A_221 : vector<16xi32>
    %add3A_223 = arith.addi %shift_left3A_216, %and3A_222 : vector<16xi32>
    %swap3A_224 = arith.constant 112 : index
    %swap3A_225 = tpu.vector_load %arg10[%swap3A_224] {strides = array<i32>} : memref<512xi32, #tpu.memory_space<vmem>>, vector<16xi32>,
    %swap3A_226 = vector.shape_cast %swap3A_225 : vector<16xi32> to vector<16xi32>
    %swap3A_227 = vector.shape_cast %add3A_223 : vector<16xi32> to vector<16xi32>
    tpu.vector_store %arg10[%swap3A_224], %swap3A_227 {strides = array<i32>} : memref<512xi32, #tpu.memory_space<vmem>>, vector<16xi32>,
    %get3A_228 = arith.constant 112 : index
    %get3A_229 = tpu.vector_load %arg9[%get3A_228] {strides = array<i32>} : memref<512xi32, #tpu.memory_space<vmem>>, vector<16xi32>,
    %get3A_230 = vector.shape_cast %get3A_229 : vector<16xi32> to vector<16xi32>
    %shift_right_arithmetic3A_231 = arith.constant 2 : i32
    %shift_right_arithmetic3A_232 = vector.broadcast %shift_right_arithmetic3A_231 : i32 to vector<16xi32>
    %shift_right_arithmetic3A_233 = arith.shrsi %get3A_230, %shift_right_arithmetic3A_232 : vector<16xi32>
    %swap3A_234 = arith.constant 112 : index
    %swap3A_235 = tpu.vector_load %arg11[%swap3A_234] {strides = array<i32>} : memref<512xi32, #tpu.memory_space<vmem>>, vector<16xi32>,
    %swap3A_236 = vector.shape_cast %swap3A_235 : vector<16xi32> to vector<16xi32>
    %swap3A_237 = vector.shape_cast %shift_right_arithmetic3A_233 : vector<16xi32> to vector<16xi32>
    tpu.vector_store %arg11[%swap3A_234], %swap3A_237 {strides = array<i32>} : memref<512xi32, #tpu.memory_space<vmem>>, vector<16xi32>,
    %get3A_238 = arith.constant 128 : index
    %get3A_239 = tpu.vector_load %arg8[%get3A_238] {strides = array<i32>} : memref<512xi32, #tpu.memory_space<vmem>>, vector<16xi32>,
    %get3A_240 = vector.shape_cast %get3A_239 : vector<16xi32> to vector<16xi32>
    %shift_right_arithmetic3A_241 = arith.constant 15 : i32
    %shift_right_arithmetic3A_242 = vector.broadcast %shift_right_arithmetic3A_241 : i32 to vector<16xi32>
    %shift_right_arithmetic3A_243 = arith.shrsi %get3A_240, %shift_right_arithmetic3A_242 : vector<16xi32>
    %shift_left3A_244 = arith.constant 12 : i32
    %shift_left3A_245 = vector.broadcast %shift_left3A_244 : i32 to vector<16xi32>
    %shift_left3A_246 = arith.shli %shift_right_arithmetic3A_243, %shift_left3A_245 : vector<16xi32>
    %shift_right_arithmetic3A_247 = arith.constant 1 : i32
    %shift_right_arithmetic3A_248 = vector.broadcast %shift_right_arithmetic3A_247 : i32 to vector<16xi32>
    %shift_right_arithmetic3A_249 = arith.shrsi %get3A_240, %shift_right_arithmetic3A_248 : vector<16xi32>
    %and3A_250 = arith.constant 4095 : i32
    %and3A_251 = vector.broadcast %and3A_250 : i32 to vector<16xi32>
    %and3A_252 = arith.andi %shift_right_arithmetic3A_249, %and3A_251 : vector<16xi32>
    %add3A_253 = arith.addi %shift_left3A_246, %and3A_252 : vector<16xi32>
    %swap3A_254 = arith.constant 128 : index
    %swap3A_255 = tpu.vector_load %arg10[%swap3A_254] {strides = array<i32>} : memref<512xi32, #tpu.memory_space<vmem>>, vector<16xi32>,
    %swap3A_256 = vector.shape_cast %swap3A_255 : vector<16xi32> to vector<16xi32>
    %swap3A_257 = vector.shape_cast %add3A_253 : vector<16xi32> to vector<16xi32>
    tpu.vector_store %arg10[%swap3A_254], %swap3A_257 {strides = array<i32>} : memref<512xi32, #tpu.memory_space<vmem>>, vector<16xi32>,
    %get3A_258 = arith.constant 128 : index
    %get3A_259 = tpu.vector_load %arg9[%get3A_258] {strides = array<i32>} : memref<512xi32, #tpu.memory_space<vmem>>, vector<16xi32>,
    %get3A_260 = vector.shape_cast %get3A_259 : vector<16xi32> to vector<16xi32>
    %shift_right_arithmetic3A_261 = arith.constant 2 : i32
    %shift_right_arithmetic3A_262 = vector.broadcast %shift_right_arithmetic3A_261 : i32 to vector<16xi32>
    %shift_right_arithmetic3A_263 = arith.shrsi %get3A_260, %shift_right_arithmetic3A_262 : vector<16xi32>
    %swap3A_264 = arith.constant 128 : index
    %swap3A_265 = tpu.vector_load %arg11[%swap3A_264] {strides = array<i32>} : memref<512xi32, #tpu.memory_space<vmem>>, vector<16xi32>,
    %swap3A_266 = vector.shape_cast %swap3A_265 : vector<16xi32> to vector<16xi32>
    %swap3A_267 = vector.shape_cast %shift_right_arithmetic3A_263 : vector<16xi32> to vector<16xi32>
    tpu.vector_store %arg11[%swap3A_264], %swap3A_267 {strides = array<i32>} : memref<512xi32, #tpu.memory_space<vmem>>, vector<16xi32>,
    %get3A_268 = arith.constant 144 : index
    %get3A_269 = tpu.vector_load %arg8[%get3A_268] {strides = array<i32>} : memref<512xi32, #tpu.memory_space<vmem>>, vector<16xi32>,
    %get3A_270 = vector.shape_cast %get3A_269 : vector<16xi32> to vector<16xi32>
    %shift_right_arithmetic3A_271 = arith.constant 15 : i32
    %shift_right_arithmetic3A_272 = vector.broadcast %shift_right_arithmetic3A_271 : i32 to vector<16xi32>
    %shift_right_arithmetic3A_273 = arith.shrsi %get3A_270, %shift_right_arithmetic3A_272 : vector<16xi32>
    %shift_left3A_274 = arith.constant 12 : i32
    %shift_left3A_275 = vector.broadcast %shift_left3A_274 : i32 to vector<16xi32>
    %shift_left3A_276 = arith.shli %shift_right_arithmetic3A_273, %shift_left3A_275 : vector<16xi32>
    %shift_right_arithmetic3A_277 = arith.constant 1 : i32
    %shift_right_arithmetic3A_278 = vector.broadcast %shift_right_arithmetic3A_277 : i32 to vector<16xi32>
    %shift_right_arithmetic3A_279 = arith.shrsi %get3A_270, %shift_right_arithmetic3A_278 : vector<16xi32>
    %and3A_280 = arith.constant 4095 : i32
    %and3A_281 = vector.broadcast %and3A_280 : i32 to vector<16xi32>
    %and3A_282 = arith.andi %shift_right_arithmetic3A_279, %and3A_281 : vector<16xi32>
    %add3A_283 = arith.addi %shift_left3A_276, %and3A_282 : vector<16xi32>
    %swap3A_284 = arith.constant 144 : index
    %swap3A_285 = tpu.vector_load %arg10[%swap3A_284] {strides = array<i32>} : memref<512xi32, #tpu.memory_space<vmem>>, vector<16xi32>,
    %swap3A_286 = vector.shape_cast %swap3A_285 : vector<16xi32> to vector<16xi32>
    %swap3A_287 = vector.shape_cast %add3A_283 : vector<16xi32> to vector<16xi32>
    tpu.vector_store %arg10[%swap3A_284], %swap3A_287 {strides = array<i32>} : memref<512xi32, #tpu.memory_space<vmem>>, vector<16xi32>,
    %get3A_288 = arith.constant 144 : index
    %get3A_289 = tpu.vector_load %arg9[%get3A_288] {strides = array<i32>} : memref<512xi32, #tpu.memory_space<vmem>>, vector<16xi32>,
    %get3A_290 = vector.shape_cast %get3A_289 : vector<16xi32> to vector<16xi32>
    %shift_right_arithmetic3A_291 = arith.constant 2 : i32
    %shift_right_arithmetic3A_292 = vector.broadcast %shift_right_arithmetic3A_291 : i32 to vector<16xi32>
    %shift_right_arithmetic3A_293 = arith.shrsi %get3A_290, %shift_right_arithmetic3A_292 : vector<16xi32>
    %swap3A_294 = arith.constant 144 : index
    %swap3A_295 = tpu.vector_load %arg11[%swap3A_294] {strides = array<i32>} : memref<512xi32, #tpu.memory_space<vmem>>, vector<16xi32>,
    %swap3A_296 = vector.shape_cast %swap3A_295 : vector<16xi32> to vector<16xi32>
    %swap3A_297 = vector.shape_cast %shift_right_arithmetic3A_293 : vector<16xi32> to vector<16xi32>
    tpu.vector_store %arg11[%swap3A_294], %swap3A_297 {strides = array<i32>} : memref<512xi32, #tpu.memory_space<vmem>>, vector<16xi32>,
    %get3A_298 = arith.constant 160 : index
    %get3A_299 = tpu.vector_load %arg8[%get3A_298] {strides = array<i32>} : memref<512xi32, #tpu.memory_space<vmem>>, vector<16xi32>,
    %get3A_300 = vector.shape_cast %get3A_299 : vector<16xi32> to vector<16xi32>
    %shift_right_arithmetic3A_301 = arith.constant 15 : i32
    %shift_right_arithmetic3A_302 = vector.broadcast %shift_right_arithmetic3A_301 : i32 to vector<16xi32>
    %shift_right_arithmetic3A_303 = arith.shrsi %get3A_300, %shift_right_arithmetic3A_302 : vector<16xi32>
    %shift_left3A_304 = arith.constant 12 : i32
    %shift_left3A_305 = vector.broadcast %shift_left3A_304 : i32 to vector<16xi32>
    %shift_left3A_306 = arith.shli %shift_right_arithmetic3A_303, %shift_left3A_305 : vector<16xi32>
    %shift_right_arithmetic3A_307 = arith.constant 1 : i32
    %shift_right_arithmetic3A_308 = vector.broadcast %shift_right_arithmetic3A_307 : i32 to vector<16xi32>
    %shift_right_arithmetic3A_309 = arith.shrsi %get3A_300, %shift_right_arithmetic3A_308 : vector<16xi32>
    %and3A_310 = arith.constant 4095 : i32
    %and3A_311 = vector.broadcast %and3A_310 : i32 to vector<16xi32>
    %and3A_312 = arith.andi %shift_right_arithmetic3A_309, %and3A_311 : vector<16xi32>
    %add3A_313 = arith.addi %shift_left3A_306, %and3A_312 : vector<16xi32>
    %swap3A_314 = arith.constant 160 : index
    %swap3A_315 = tpu.vector_load %arg10[%swap3A_314] {strides = array<i32>} : memref<512xi32, #tpu.memory_space<vmem>>, vector<16xi32>,
    %swap3A_316 = vector.shape_cast %swap3A_315 : vector<16xi32> to vector<16xi32>
    %swap3A_317 = vector.shape_cast %add3A_313 : vector<16xi32> to vector<16xi32>
    tpu.vector_store %arg10[%swap3A_314], %swap3A_317 {strides = array<i32>} : memref<512xi32, #tpu.memory_space<vmem>>, vector<16xi32>,
    %get3A_318 = arith.constant 160 : index
    %get3A_319 = tpu.vector_load %arg9[%get3A_318] {strides = array<i32>} : memref<512xi32, #tpu.memory_space<vmem>>, vector<16xi32>,
    %get3A_320 = vector.shape_cast %get3A_319 : vector<16xi32> to vector<16xi32>
    %shift_right_arithmetic3A_321 = arith.constant 2 : i32
    %shift_right_arithmetic3A_322 = vector.broadcast %shift_right_arithmetic3A_321 : i32 to vector<16xi32>
    %shift_right_arithmetic3A_323 = arith.shrsi %get3A_320, %shift_right_arithmetic3A_322 : vector<16xi32>
    %swap3A_324 = arith.constant 160 : index
    %swap3A_325 = tpu.vector_load %arg11[%swap3A_324] {strides = array<i32>} : memref<512xi32, #tpu.memory_space<vmem>>, vector<16xi32>,
    %swap3A_326 = vector.shape_cast %swap3A_325 : vector<16xi32> to vector<16xi32>
    %swap3A_327 = vector.shape_cast %shift_right_arithmetic3A_323 : vector<16xi32> to vector<16xi32>
    tpu.vector_store %arg11[%swap3A_324], %swap3A_327 {strides = array<i32>} : memref<512xi32, #tpu.memory_space<vmem>>, vector<16xi32>,
    %get3A_328 = arith.constant 176 : index
    %get3A_329 = tpu.vector_load %arg8[%get3A_328] {strides = array<i32>} : memref<512xi32, #tpu.memory_space<vmem>>, vector<16xi32>,
    %get3A_330 = vector.shape_cast %get3A_329 : vector<16xi32> to vector<16xi32>
    %shift_right_arithmetic3A_331 = arith.constant 15 : i32
    %shift_right_arithmetic3A_332 = vector.broadcast %shift_right_arithmetic3A_331 : i32 to vector<16xi32>
    %shift_right_arithmetic3A_333 = arith.shrsi %get3A_330, %shift_right_arithmetic3A_332 : vector<16xi32>
    %shift_left3A_334 = arith.constant 12 : i32
    %shift_left3A_335 = vector.broadcast %shift_left3A_334 : i32 to vector<16xi32>
    %shift_left3A_336 = arith.shli %shift_right_arithmetic3A_333, %shift_left3A_335 : vector<16xi32>
    %shift_right_arithmetic3A_337 = arith.constant 1 : i32
    %shift_right_arithmetic3A_338 = vector.broadcast %shift_right_arithmetic3A_337 : i32 to vector<16xi32>
    %shift_right_arithmetic3A_339 = arith.shrsi %get3A_330, %shift_right_arithmetic3A_338 : vector<16xi32>
    %and3A_340 = arith.constant 4095 : i32
    %and3A_341 = vector.broadcast %and3A_340 : i32 to vector<16xi32>
    %and3A_342 = arith.andi %shift_right_arithmetic3A_339, %and3A_341 : vector<16xi32>
    %add3A_343 = arith.addi %shift_left3A_336, %and3A_342 : vector<16xi32>
    %swap3A_344 = arith.constant 176 : index
    %swap3A_345 = tpu.vector_load %arg10[%swap3A_344] {strides = array<i32>} : memref<512xi32, #tpu.memory_space<vmem>>, vector<16xi32>,
    %swap3A_346 = vector.shape_cast %swap3A_345 : vector<16xi32> to vector<16xi32>
    %swap3A_347 = vector.shape_cast %add3A_343 : vector<16xi32> to vector<16xi32>
    tpu.vector_store %arg10[%swap3A_344], %swap3A_347 {strides = array<i32>} : memref<512xi32, #tpu.memory_space<vmem>>, vector<16xi32>,
    %get3A_348 = arith.constant 176 : index
    %get3A_349 = tpu.vector_load %arg9[%get3A_348] {strides = array<i32>} : memref<512xi32, #tpu.memory_space<vmem>>, vector<16xi32>,
    %get3A_350 = vector.shape_cast %get3A_349 : vector<16xi32> to vector<16xi32>
    %shift_right_arithmetic3A_351 = arith.constant 2 : i32
    %shift_right_arithmetic3A_352 = vector.broadcast %shift_right_arithmetic3A_351 : i32 to vector<16xi32>
    %shift_right_arithmetic3A_353 = arith.shrsi %get3A_350, %shift_right_arithmetic3A_352 : vector<16xi32>
    %swap3A_354 = arith.constant 176 : index
    %swap3A_355 = tpu.vector_load %arg11[%swap3A_354] {strides = array<i32>} : memref<512xi32, #tpu.memory_space<vmem>>, vector<16xi32>,
    %swap3A_356 = vector.shape_cast %swap3A_355 : vector<16xi32> to vector<16xi32>
    %swap3A_357 = vector.shape_cast %shift_right_arithmetic3A_353 : vector<16xi32> to vector<16xi32>
    tpu.vector_store %arg11[%swap3A_354], %swap3A_357 {strides = array<i32>} : memref<512xi32, #tpu.memory_space<vmem>>, vector<16xi32>,
    %get3A_358 = arith.constant 192 : index
    %get3A_359 = tpu.vector_load %arg8[%get3A_358] {strides = array<i32>} : memref<512xi32, #tpu.memory_space<vmem>>, vector<16xi32>,
    %get3A_360 = vector.shape_cast %get3A_359 : vector<16xi32> to vector<16xi32>
    %shift_right_arithmetic3A_361 = arith.constant 15 : i32
    %shift_right_arithmetic3A_362 = vector.broadcast %shift_right_arithmetic3A_361 : i32 to vector<16xi32>
    %shift_right_arithmetic3A_363 = arith.shrsi %get3A_360, %shift_right_arithmetic3A_362 : vector<16xi32>
    %shift_left3A_364 = arith.constant 12 : i32
    %shift_left3A_365 = vector.broadcast %shift_left3A_364 : i32 to vector<16xi32>
    %shift_left3A_366 = arith.shli %shift_right_arithmetic3A_363, %shift_left3A_365 : vector<16xi32>
    %shift_right_arithmetic3A_367 = arith.constant 1 : i32
    %shift_right_arithmetic3A_368 = vector.broadcast %shift_right_arithmetic3A_367 : i32 to vector<16xi32>
    %shift_right_arithmetic3A_369 = arith.shrsi %get3A_360, %shift_right_arithmetic3A_368 : vector<16xi32>
    %and3A_370 = arith.constant 4095 : i32
    %and3A_371 = vector.broadcast %and3A_370 : i32 to vector<16xi32>
    %and3A_372 = arith.andi %shift_right_arithmetic3A_369, %and3A_371 : vector<16xi32>
    %add3A_373 = arith.addi %shift_left3A_366, %and3A_372 : vector<16xi32>
    %swap3A_374 = arith.constant 192 : index
    %swap3A_375 = tpu.vector_load %arg10[%swap3A_374] {strides = array<i32>} : memref<512xi32, #tpu.memory_space<vmem>>, vector<16xi32>,
    %swap3A_376 = vector.shape_cast %swap3A_375 : vector<16xi32> to vector<16xi32>
    %swap3A_377 = vector.shape_cast %add3A_373 : vector<16xi32> to vector<16xi32>
    tpu.vector_store %arg10[%swap3A_374], %swap3A_377 {strides = array<i32>} : memref<512xi32, #tpu.memory_space<vmem>>, vector<16xi32>,
    %get3A_378 = arith.constant 192 : index
    %get3A_379 = tpu.vector_load %arg9[%get3A_378] {strides = array<i32>} : memref<512xi32, #tpu.memory_space<vmem>>, vector<16xi32>,
    %get3A_380 = vector.shape_cast %get3A_379 : vector<16xi32> to vector<16xi32>
    %shift_right_arithmetic3A_381 = arith.constant 2 : i32
    %shift_right_arithmetic3A_382 = vector.broadcast %shift_right_arithmetic3A_381 : i32 to vector<16xi32>
    %shift_right_arithmetic3A_383 = arith.shrsi %get3A_380, %shift_right_arithmetic3A_382 : vector<16xi32>
    %swap3A_384 = arith.constant 192 : index
    %swap3A_385 = tpu.vector_load %arg11[%swap3A_384] {strides = array<i32>} : memref<512xi32, #tpu.memory_space<vmem>>, vector<16xi32>,
    %swap3A_386 = vector.shape_cast %swap3A_385 : vector<16xi32> to vector<16xi32>
    %swap3A_387 = vector.shape_cast %shift_right_arithmetic3A_383 : vector<16xi32> to vector<16xi32>
    tpu.vector_store %arg11[%swap3A_384], %swap3A_387 {strides = array<i32>} : memref<512xi32, #tpu.memory_space<vmem>>, vector<16xi32>,
    %get3A_388 = arith.constant 208 : index
    %get3A_389 = tpu.vector_load %arg8[%get3A_388] {strides = array<i32>} : memref<512xi32, #tpu.memory_space<vmem>>, vector<16xi32>,
    %get3A_390 = vector.shape_cast %get3A_389 : vector<16xi32> to vector<16xi32>
    %shift_right_arithmetic3A_391 = arith.constant 15 : i32
    %shift_right_arithmetic3A_392 = vector.broadcast %shift_right_arithmetic3A_391 : i32 to vector<16xi32>
    %shift_right_arithmetic3A_393 = arith.shrsi %get3A_390, %shift_right_arithmetic3A_392 : vector<16xi32>
    %shift_left3A_394 = arith.constant 12 : i32
    %shift_left3A_395 = vector.broadcast %shift_left3A_394 : i32 to vector<16xi32>
    %shift_left3A_396 = arith.shli %shift_right_arithmetic3A_393, %shift_left3A_395 : vector<16xi32>
    %shift_right_arithmetic3A_397 = arith.constant 1 : i32
    %shift_right_arithmetic3A_398 = vector.broadcast %shift_right_arithmetic3A_397 : i32 to vector<16xi32>
    %shift_right_arithmetic3A_399 = arith.shrsi %get3A_390, %shift_right_arithmetic3A_398 : vector<16xi32>
    %and3A_400 = arith.constant 4095 : i32
    %and3A_401 = vector.broadcast %and3A_400 : i32 to vector<16xi32>
    %and3A_402 = arith.andi %shift_right_arithmetic3A_399, %and3A_401 : vector<16xi32>
    %add3A_403 = arith.addi %shift_left3A_396, %and3A_402 : vector<16xi32>
    %swap3A_404 = arith.constant 208 : index
    %swap3A_405 = tpu.vector_load %arg10[%swap3A_404] {strides = array<i32>} : memref<512xi32, #tpu.memory_space<vmem>>, vector<16xi32>,
    %swap3A_406 = vector.shape_cast %swap3A_405 : vector<16xi32> to vector<16xi32>
    %swap3A_407 = vector.shape_cast %add3A_403 : vector<16xi32> to vector<16xi32>
    tpu.vector_store %arg10[%swap3A_404], %swap3A_407 {strides = array<i32>} : memref<512xi32, #tpu.memory_space<vmem>>, vector<16xi32>,
    %get3A_408 = arith.constant 208 : index
    %get3A_409 = tpu.vector_load %arg9[%get3A_408] {strides = array<i32>} : memref<512xi32, #tpu.memory_space<vmem>>, vector<16xi32>,
    %get3A_410 = vector.shape_cast %get3A_409 : vector<16xi32> to vector<16xi32>
    %shift_right_arithmetic3A_411 = arith.constant 2 : i32
    %shift_right_arithmetic3A_412 = vector.broadcast %shift_right_arithmetic3A_411 : i32 to vector<16xi32>
    %shift_right_arithmetic3A_413 = arith.shrsi %get3A_410, %shift_right_arithmetic3A_412 : vector<16xi32>
    %swap3A_414 = arith.constant 208 : index
    %swap3A_415 = tpu.vector_load %arg11[%swap3A_414] {strides = array<i32>} : memref<512xi32, #tpu.memory_space<vmem>>, vector<16xi32>,
    %swap3A_416 = vector.shape_cast %swap3A_415 : vector<16xi32> to vector<16xi32>
    %swap3A_417 = vector.shape_cast %shift_right_arithmetic3A_413 : vector<16xi32> to vector<16xi32>
    tpu.vector_store %arg11[%swap3A_414], %swap3A_417 {strides = array<i32>} : memref<512xi32, #tpu.memory_space<vmem>>, vector<16xi32>,
    %get3A_418 = arith.constant 224 : index
    %get3A_419 = tpu.vector_load %arg8[%get3A_418] {strides = array<i32>} : memref<512xi32, #tpu.memory_space<vmem>>, vector<16xi32>,
    %get3A_420 = vector.shape_cast %get3A_419 : vector<16xi32> to vector<16xi32>
    %shift_right_arithmetic3A_421 = arith.constant 15 : i32
    %shift_right_arithmetic3A_422 = vector.broadcast %shift_right_arithmetic3A_421 : i32 to vector<16xi32>
    %shift_right_arithmetic3A_423 = arith.shrsi %get3A_420, %shift_right_arithmetic3A_422 : vector<16xi32>
    %shift_left3A_424 = arith.constant 12 : i32
    %shift_left3A_425 = vector.broadcast %shift_left3A_424 : i32 to vector<16xi32>
    %shift_left3A_426 = arith.shli %shift_right_arithmetic3A_423, %shift_left3A_425 : vector<16xi32>
    %shift_right_arithmetic3A_427 = arith.constant 1 : i32
    %shift_right_arithmetic3A_428 = vector.broadcast %shift_right_arithmetic3A_427 : i32 to vector<16xi32>
    %shift_right_arithmetic3A_429 = arith.shrsi %get3A_420, %shift_right_arithmetic3A_428 : vector<16xi32>
    %and3A_430 = arith.constant 4095 : i32
    %and3A_431 = vector.broadcast %and3A_430 : i32 to vector<16xi32>
    %and3A_432 = arith.andi %shift_right_arithmetic3A_429, %and3A_431 : vector<16xi32>
    %add3A_433 = arith.addi %shift_left3A_426, %and3A_432 : vector<16xi32>
    %swap3A_434 = arith.constant 224 : index
    %swap3A_435 = tpu.vector_load %arg10[%swap3A_434] {strides = array<i32>} : memref<512xi32, #tpu.memory_space<vmem>>, vector<16xi32>,
    %swap3A_436 = vector.shape_cast %swap3A_435 : vector<16xi32> to vector<16xi32>
    %swap3A_437 = vector.shape_cast %add3A_433 : vector<16xi32> to vector<16xi32>
    tpu.vector_store %arg10[%swap3A_434], %swap3A_437 {strides = array<i32>} : memref<512xi32, #tpu.memory_space<vmem>>, vector<16xi32>,
    %get3A_438 = arith.constant 224 : index
    %get3A_439 = tpu.vector_load %arg9[%get3A_438] {strides = array<i32>} : memref<512xi32, #tpu.memory_space<vmem>>, vector<16xi32>,
    %get3A_440 = vector.shape_cast %get3A_439 : vector<16xi32> to vector<16xi32>
    %shift_right_arithmetic3A_441 = arith.constant 2 : i32
    %shift_right_arithmetic3A_442 = vector.broadcast %shift_right_arithmetic3A_441 : i32 to vector<16xi32>
    %shift_right_arithmetic3A_443 = arith.shrsi %get3A_440, %shift_right_arithmetic3A_442 : vector<16xi32>
    %swap3A_444 = arith.constant 224 : index
    %swap3A_445 = tpu.vector_load %arg11[%swap3A_444] {strides = array<i32>} : memref<512xi32, #tpu.memory_space<vmem>>, vector<16xi32>,
    %swap3A_446 = vector.shape_cast %swap3A_445 : vector<16xi32> to vector<16xi32>
    %swap3A_447 = vector.shape_cast %shift_right_arithmetic3A_443 : vector<16xi32> to vector<16xi32>
    tpu.vector_store %arg11[%swap3A_444], %swap3A_447 {strides = array<i32>} : memref<512xi32, #tpu.memory_space<vmem>>, vector<16xi32>,
    %get3A_448 = arith.constant 240 : index
    %get3A_449 = tpu.vector_load %arg8[%get3A_448] {strides = array<i32>} : memref<512xi32, #tpu.memory_space<vmem>>, vector<16xi32>,
    %get3A_450 = vector.shape_cast %get3A_449 : vector<16xi32> to vector<16xi32>
    %shift_right_arithmetic3A_451 = arith.constant 15 : i32
    %shift_right_arithmetic3A_452 = vector.broadcast %shift_right_arithmetic3A_451 : i32 to vector<16xi32>
    %shift_right_arithmetic3A_453 = arith.shrsi %get3A_450, %shift_right_arithmetic3A_452 : vector<16xi32>
    %shift_left3A_454 = arith.constant 12 : i32
    %shift_left3A_455 = vector.broadcast %shift_left3A_454 : i32 to vector<16xi32>
    %shift_left3A_456 = arith.shli %shift_right_arithmetic3A_453, %shift_left3A_455 : vector<16xi32>
    %shift_right_arithmetic3A_457 = arith.constant 1 : i32
    %shift_right_arithmetic3A_458 = vector.broadcast %shift_right_arithmetic3A_457 : i32 to vector<16xi32>
    %shift_right_arithmetic3A_459 = arith.shrsi %get3A_450, %shift_right_arithmetic3A_458 : vector<16xi32>
    %and3A_460 = arith.constant 4095 : i32
    %and3A_461 = vector.broadcast %and3A_460 : i32 to vector<16xi32>
    %and3A_462 = arith.andi %shift_right_arithmetic3A_459, %and3A_461 : vector<16xi32>
    %add3A_463 = arith.addi %shift_left3A_456, %and3A_462 : vector<16xi32>
    %swap3A_464 = arith.constant 240 : index
    %swap3A_465 = tpu.vector_load %arg10[%swap3A_464] {strides = array<i32>} : memref<512xi32, #tpu.memory_space<vmem>>, vector<16xi32>,
    %swap3A_466 = vector.shape_cast %swap3A_465 : vector<16xi32> to vector<16xi32>
    %swap3A_467 = vector.shape_cast %add3A_463 : vector<16xi32> to vector<16xi32>
    tpu.vector_store %arg10[%swap3A_464], %swap3A_467 {strides = array<i32>} : memref<512xi32, #tpu.memory_space<vmem>>, vector<16xi32>,
    %get3A_468 = arith.constant 240 : index
    %get3A_469 = tpu.vector_load %arg9[%get3A_468] {strides = array<i32>} : memref<512xi32, #tpu.memory_space<vmem>>, vector<16xi32>,
    %get3A_470 = vector.shape_cast %get3A_469 : vector<16xi32> to vector<16xi32>
    %shift_right_arithmetic3A_471 = arith.constant 2 : i32
    %shift_right_arithmetic3A_472 = vector.broadcast %shift_right_arithmetic3A_471 : i32 to vector<16xi32>
    %shift_right_arithmetic3A_473 = arith.shrsi %get3A_470, %shift_right_arithmetic3A_472 : vector<16xi32>
    %swap3A_474 = arith.constant 240 : index
    %swap3A_475 = tpu.vector_load %arg11[%swap3A_474] {strides = array<i32>} : memref<512xi32, #tpu.memory_space<vmem>>, vector<16xi32>,
    %swap3A_476 = vector.shape_cast %swap3A_475 : vector<16xi32> to vector<16xi32>
    %swap3A_477 = vector.shape_cast %shift_right_arithmetic3A_473 : vector<16xi32> to vector<16xi32>
    tpu.vector_store %arg11[%swap3A_474], %swap3A_477 {strides = array<i32>} : memref<512xi32, #tpu.memory_space<vmem>>, vector<16xi32>,
    %get3A_478 = arith.constant 256 : index
    %get3A_479 = tpu.vector_load %arg8[%get3A_478] {strides = array<i32>} : memref<512xi32, #tpu.memory_space<vmem>>, vector<16xi32>,
    %get3A_480 = vector.shape_cast %get3A_479 : vector<16xi32> to vector<16xi32>
    %shift_right_arithmetic3A_481 = arith.constant 15 : i32
    %shift_right_arithmetic3A_482 = vector.broadcast %shift_right_arithmetic3A_481 : i32 to vector<16xi32>
    %shift_right_arithmetic3A_483 = arith.shrsi %get3A_480, %shift_right_arithmetic3A_482 : vector<16xi32>
    %shift_left3A_484 = arith.constant 12 : i32
    %shift_left3A_485 = vector.broadcast %shift_left3A_484 : i32 to vector<16xi32>
    %shift_left3A_486 = arith.shli %shift_right_arithmetic3A_483, %shift_left3A_485 : vector<16xi32>
    %shift_right_arithmetic3A_487 = arith.constant 1 : i32
    %shift_right_arithmetic3A_488 = vector.broadcast %shift_right_arithmetic3A_487 : i32 to vector<16xi32>
    %shift_right_arithmetic3A_489 = arith.shrsi %get3A_480, %shift_right_arithmetic3A_488 : vector<16xi32>
    %and3A_490 = arith.constant 4095 : i32
    %and3A_491 = vector.broadcast %and3A_490 : i32 to vector<16xi32>
    %and3A_492 = arith.andi %shift_right_arithmetic3A_489, %and3A_491 : vector<16xi32>
    %add3A_493 = arith.addi %shift_left3A_486, %and3A_492 : vector<16xi32>
    %swap3A_494 = arith.constant 256 : index
    %swap3A_495 = tpu.vector_load %arg10[%swap3A_494] {strides = array<i32>} : memref<512xi32, #tpu.memory_space<vmem>>, vector<16xi32>,
    %swap3A_496 = vector.shape_cast %swap3A_495 : vector<16xi32> to vector<16xi32>
    %swap3A_497 = vector.shape_cast %add3A_493 : vector<16xi32> to vector<16xi32>
    tpu.vector_store %arg10[%swap3A_494], %swap3A_497 {strides = array<i32>} : memref<512xi32, #tpu.memory_space<vmem>>, vector<16xi32>,
    %get3A_498 = arith.constant 256 : index
    %get3A_499 = tpu.vector_load %arg9[%get3A_498] {strides = array<i32>} : memref<512xi32, #tpu.memory_space<vmem>>, vector<16xi32>,
    %get3A_500 = vector.shape_cast %get3A_499 : vector<16xi32> to vector<16xi32>
    %shift_right_arithmetic3A_501 = arith.constant 2 : i32
    %shift_right_arithmetic3A_502 = vector.broadcast %shift_right_arithmetic3A_501 : i32 to vector<16xi32>
    %shift_right_arithmetic3A_503 = arith.shrsi %get3A_500, %shift_right_arithmetic3A_502 : vector<16xi32>
    %swap3A_504 = arith.constant 256 : index
    %swap3A_505 = tpu.vector_load %arg11[%swap3A_504] {strides = array<i32>} : memref<512xi32, #tpu.memory_space<vmem>>, vector<16xi32>,
    %swap3A_506 = vector.shape_cast %swap3A_505 : vector<16xi32> to vector<16xi32>
    %swap3A_507 = vector.shape_cast %shift_right_arithmetic3A_503 : vector<16xi32> to vector<16xi32>
    tpu.vector_store %arg11[%swap3A_504], %swap3A_507 {strides = array<i32>} : memref<512xi32, #tpu.memory_space<vmem>>, vector<16xi32>,
    %get3A_508 = arith.constant 272 : index
    %get3A_509 = tpu.vector_load %arg8[%get3A_508] {strides = array<i32>} : memref<512xi32, #tpu.memory_space<vmem>>, vector<16xi32>,
    %get3A_510 = vector.shape_cast %get3A_509 : vector<16xi32> to vector<16xi32>
    %shift_right_arithmetic3A_511 = arith.constant 15 : i32
    %shift_right_arithmetic3A_512 = vector.broadcast %shift_right_arithmetic3A_511 : i32 to vector<16xi32>
    %shift_right_arithmetic3A_513 = arith.shrsi %get3A_510, %shift_right_arithmetic3A_512 : vector<16xi32>
    %shift_left3A_514 = arith.constant 12 : i32
    %shift_left3A_515 = vector.broadcast %shift_left3A_514 : i32 to vector<16xi32>
    %shift_left3A_516 = arith.shli %shift_right_arithmetic3A_513, %shift_left3A_515 : vector<16xi32>
    %shift_right_arithmetic3A_517 = arith.constant 1 : i32
    %shift_right_arithmetic3A_518 = vector.broadcast %shift_right_arithmetic3A_517 : i32 to vector<16xi32>
    %shift_right_arithmetic3A_519 = arith.shrsi %get3A_510, %shift_right_arithmetic3A_518 : vector<16xi32>
    %and3A_520 = arith.constant 4095 : i32
    %and3A_521 = vector.broadcast %and3A_520 : i32 to vector<16xi32>
    %and3A_522 = arith.andi %shift_right_arithmetic3A_519, %and3A_521 : vector<16xi32>
    %add3A_523 = arith.addi %shift_left3A_516, %and3A_522 : vector<16xi32>
    %swap3A_524 = arith.constant 272 : index
    %swap3A_525 = tpu.vector_load %arg10[%swap3A_524] {strides = array<i32>} : memref<512xi32, #tpu.memory_space<vmem>>, vector<16xi32>,
    %swap3A_526 = vector.shape_cast %swap3A_525 : vector<16xi32> to vector<16xi32>
    %swap3A_527 = vector.shape_cast %add3A_523 : vector<16xi32> to vector<16xi32>
    tpu.vector_store %arg10[%swap3A_524], %swap3A_527 {strides = array<i32>} : memref<512xi32, #tpu.memory_space<vmem>>, vector<16xi32>,
    %get3A_528 = arith.constant 272 : index
    %get3A_529 = tpu.vector_load %arg9[%get3A_528] {strides = array<i32>} : memref<512xi32, #tpu.memory_space<vmem>>, vector<16xi32>,
    %get3A_530 = vector.shape_cast %get3A_529 : vector<16xi32> to vector<16xi32>
    %shift_right_arithmetic3A_531 = arith.constant 2 : i32
    %shift_right_arithmetic3A_532 = vector.broadcast %shift_right_arithmetic3A_531 : i32 to vector<16xi32>
    %shift_right_arithmetic3A_533 = arith.shrsi %get3A_530, %shift_right_arithmetic3A_532 : vector<16xi32>
    %swap3A_534 = arith.constant 272 : index
    %swap3A_535 = tpu.vector_load %arg11[%swap3A_534] {strides = array<i32>} : memref<512xi32, #tpu.memory_space<vmem>>, vector<16xi32>,
    %swap3A_536 = vector.shape_cast %swap3A_535 : vector<16xi32> to vector<16xi32>
    %swap3A_537 = vector.shape_cast %shift_right_arithmetic3A_533 : vector<16xi32> to vector<16xi32>
    tpu.vector_store %arg11[%swap3A_534], %swap3A_537 {strides = array<i32>} : memref<512xi32, #tpu.memory_space<vmem>>, vector<16xi32>,
    %get3A_538 = arith.constant 288 : index
    %get3A_539 = tpu.vector_load %arg8[%get3A_538] {strides = array<i32>} : memref<512xi32, #tpu.memory_space<vmem>>, vector<16xi32>,
    %get3A_540 = vector.shape_cast %get3A_539 : vector<16xi32> to vector<16xi32>
    %shift_right_arithmetic3A_541 = arith.constant 15 : i32
    %shift_right_arithmetic3A_542 = vector.broadcast %shift_right_arithmetic3A_541 : i32 to vector<16xi32>
    %shift_right_arithmetic3A_543 = arith.shrsi %get3A_540, %shift_right_arithmetic3A_542 : vector<16xi32>
    %shift_left3A_544 = arith.constant 12 : i32
    %shift_left3A_545 = vector.broadcast %shift_left3A_544 : i32 to vector<16xi32>
    %shift_left3A_546 = arith.shli %shift_right_arithmetic3A_543, %shift_left3A_545 : vector<16xi32>
    %shift_right_arithmetic3A_547 = arith.constant 1 : i32
    %shift_right_arithmetic3A_548 = vector.broadcast %shift_right_arithmetic3A_547 : i32 to vector<16xi32>
    %shift_right_arithmetic3A_549 = arith.shrsi %get3A_540, %shift_right_arithmetic3A_548 : vector<16xi32>
    %and3A_550 = arith.constant 4095 : i32
    %and3A_551 = vector.broadcast %and3A_550 : i32 to vector<16xi32>
    %and3A_552 = arith.andi %shift_right_arithmetic3A_549, %and3A_551 : vector<16xi32>
    %add3A_553 = arith.addi %shift_left3A_546, %and3A_552 : vector<16xi32>
    %swap3A_554 = arith.constant 288 : index
    %swap3A_555 = tpu.vector_load %arg10[%swap3A_554] {strides = array<i32>} : memref<512xi32, #tpu.memory_space<vmem>>, vector<16xi32>,
    %swap3A_556 = vector.shape_cast %swap3A_555 : vector<16xi32> to vector<16xi32>
    %swap3A_557 = vector.shape_cast %add3A_553 : vector<16xi32> to vector<16xi32>
    tpu.vector_store %arg10[%swap3A_554], %swap3A_557 {strides = array<i32>} : memref<512xi32, #tpu.memory_space<vmem>>, vector<16xi32>,
    %get3A_558 = arith.constant 288 : index
    %get3A_559 = tpu.vector_load %arg9[%get3A_558] {strides = array<i32>} : memref<512xi32, #tpu.memory_space<vmem>>, vector<16xi32>,
    %get3A_560 = vector.shape_cast %get3A_559 : vector<16xi32> to vector<16xi32>
    %shift_right_arithmetic3A_561 = arith.constant 2 : i32
    %shift_right_arithmetic3A_562 = vector.broadcast %shift_right_arithmetic3A_561 : i32 to vector<16xi32>
    %shift_right_arithmetic3A_563 = arith.shrsi %get3A_560, %shift_right_arithmetic3A_562 : vector<16xi32>
    %swap3A_564 = arith.constant 288 : index
    %swap3A_565 = tpu.vector_load %arg11[%swap3A_564] {strides = array<i32>} : memref<512xi32, #tpu.memory_space<vmem>>, vector<16xi32>,
    %swap3A_566 = vector.shape_cast %swap3A_565 : vector<16xi32> to vector<16xi32>
    %swap3A_567 = vector.shape_cast %shift_right_arithmetic3A_563 : vector<16xi32> to vector<16xi32>
    tpu.vector_store %arg11[%swap3A_564], %swap3A_567 {strides = array<i32>} : memref<512xi32, #tpu.memory_space<vmem>>, vector<16xi32>,
    %get3A_568 = arith.constant 304 : index
    %get3A_569 = tpu.vector_load %arg8[%get3A_568] {strides = array<i32>} : memref<512xi32, #tpu.memory_space<vmem>>, vector<16xi32>,
    %get3A_570 = vector.shape_cast %get3A_569 : vector<16xi32> to vector<16xi32>
    %shift_right_arithmetic3A_571 = arith.constant 15 : i32
    %shift_right_arithmetic3A_572 = vector.broadcast %shift_right_arithmetic3A_571 : i32 to vector<16xi32>
    %shift_right_arithmetic3A_573 = arith.shrsi %get3A_570, %shift_right_arithmetic3A_572 : vector<16xi32>
    %shift_left3A_574 = arith.constant 12 : i32
    %shift_left3A_575 = vector.broadcast %shift_left3A_574 : i32 to vector<16xi32>
    %shift_left3A_576 = arith.shli %shift_right_arithmetic3A_573, %shift_left3A_575 : vector<16xi32>
    %shift_right_arithmetic3A_577 = arith.constant 1 : i32
    %shift_right_arithmetic3A_578 = vector.broadcast %shift_right_arithmetic3A_577 : i32 to vector<16xi32>
    %shift_right_arithmetic3A_579 = arith.shrsi %get3A_570, %shift_right_arithmetic3A_578 : vector<16xi32>
    %and3A_580 = arith.constant 4095 : i32
    %and3A_581 = vector.broadcast %and3A_580 : i32 to vector<16xi32>
    %and3A_582 = arith.andi %shift_right_arithmetic3A_579, %and3A_581 : vector<16xi32>
    %add3A_583 = arith.addi %shift_left3A_576, %and3A_582 : vector<16xi32>
    %swap3A_584 = arith.constant 304 : index
    %swap3A_585 = tpu.vector_load %arg10[%swap3A_584] {strides = array<i32>} : memref<512xi32, #tpu.memory_space<vmem>>, vector<16xi32>,
    %swap3A_586 = vector.shape_cast %swap3A_585 : vector<16xi32> to vector<16xi32>
    %swap3A_587 = vector.shape_cast %add3A_583 : vector<16xi32> to vector<16xi32>
    tpu.vector_store %arg10[%swap3A_584], %swap3A_587 {strides = array<i32>} : memref<512xi32, #tpu.memory_space<vmem>>, vector<16xi32>,
    %get3A_588 = arith.constant 304 : index
    %get3A_589 = tpu.vector_load %arg9[%get3A_588] {strides = array<i32>} : memref<512xi32, #tpu.memory_space<vmem>>, vector<16xi32>,
    %get3A_590 = vector.shape_cast %get3A_589 : vector<16xi32> to vector<16xi32>
    %shift_right_arithmetic3A_591 = arith.constant 2 : i32
    %shift_right_arithmetic3A_592 = vector.broadcast %shift_right_arithmetic3A_591 : i32 to vector<16xi32>
    %shift_right_arithmetic3A_593 = arith.shrsi %get3A_590, %shift_right_arithmetic3A_592 : vector<16xi32>
    %swap3A_594 = arith.constant 304 : index
    %swap3A_595 = tpu.vector_load %arg11[%swap3A_594] {strides = array<i32>} : memref<512xi32, #tpu.memory_space<vmem>>, vector<16xi32>,
    %swap3A_596 = vector.shape_cast %swap3A_595 : vector<16xi32> to vector<16xi32>
    %swap3A_597 = vector.shape_cast %shift_right_arithmetic3A_593 : vector<16xi32> to vector<16xi32>
    tpu.vector_store %arg11[%swap3A_594], %swap3A_597 {strides = array<i32>} : memref<512xi32, #tpu.memory_space<vmem>>, vector<16xi32>,
    %get3A_598 = arith.constant 320 : index
    %get3A_599 = tpu.vector_load %arg8[%get3A_598] {strides = array<i32>} : memref<512xi32, #tpu.memory_space<vmem>>, vector<16xi32>,
    %get3A_600 = vector.shape_cast %get3A_599 : vector<16xi32> to vector<16xi32>
    %shift_right_arithmetic3A_601 = arith.constant 15 : i32
    %shift_right_arithmetic3A_602 = vector.broadcast %shift_right_arithmetic3A_601 : i32 to vector<16xi32>
    %shift_right_arithmetic3A_603 = arith.shrsi %get3A_600, %shift_right_arithmetic3A_602 : vector<16xi32>
    %shift_left3A_604 = arith.constant 12 : i32
    %shift_left3A_605 = vector.broadcast %shift_left3A_604 : i32 to vector<16xi32>
    %shift_left3A_606 = arith.shli %shift_right_arithmetic3A_603, %shift_left3A_605 : vector<16xi32>
    %shift_right_arithmetic3A_607 = arith.constant 1 : i32
    %shift_right_arithmetic3A_608 = vector.broadcast %shift_right_arithmetic3A_607 : i32 to vector<16xi32>
    %shift_right_arithmetic3A_609 = arith.shrsi %get3A_600, %shift_right_arithmetic3A_608 : vector<16xi32>
    %and3A_610 = arith.constant 4095 : i32
    %and3A_611 = vector.broadcast %and3A_610 : i32 to vector<16xi32>
    %and3A_612 = arith.andi %shift_right_arithmetic3A_609, %and3A_611 : vector<16xi32>
    %add3A_613 = arith.addi %shift_left3A_606, %and3A_612 : vector<16xi32>
    %swap3A_614 = arith.constant 320 : index
    %swap3A_615 = tpu.vector_load %arg10[%swap3A_614] {strides = array<i32>} : memref<512xi32, #tpu.memory_space<vmem>>, vector<16xi32>,
    %swap3A_616 = vector.shape_cast %swap3A_615 : vector<16xi32> to vector<16xi32>
    %swap3A_617 = vector.shape_cast %add3A_613 : vector<16xi32> to vector<16xi32>
    tpu.vector_store %arg10[%swap3A_614], %swap3A_617 {strides = array<i32>} : memref<512xi32, #tpu.memory_space<vmem>>, vector<16xi32>,
    %get3A_618 = arith.constant 320 : index
    %get3A_619 = tpu.vector_load %arg9[%get3A_618] {strides = array<i32>} : memref<512xi32, #tpu.memory_space<vmem>>, vector<16xi32>,
    %get3A_620 = vector.shape_cast %get3A_619 : vector<16xi32> to vector<16xi32>
    %shift_right_arithmetic3A_621 = arith.constant 2 : i32
    %shift_right_arithmetic3A_622 = vector.broadcast %shift_right_arithmetic3A_621 : i32 to vector<16xi32>
    %shift_right_arithmetic3A_623 = arith.shrsi %get3A_620, %shift_right_arithmetic3A_622 : vector<16xi32>
    %swap3A_624 = arith.constant 320 : index
    %swap3A_625 = tpu.vector_load %arg11[%swap3A_624] {strides = array<i32>} : memref<512xi32, #tpu.memory_space<vmem>>, vector<16xi32>,
    %swap3A_626 = vector.shape_cast %swap3A_625 : vector<16xi32> to vector<16xi32>
    %swap3A_627 = vector.shape_cast %shift_right_arithmetic3A_623 : vector<16xi32> to vector<16xi32>
    tpu.vector_store %arg11[%swap3A_624], %swap3A_627 {strides = array<i32>} : memref<512xi32, #tpu.memory_space<vmem>>, vector<16xi32>,
    %get3A_628 = arith.constant 336 : index
    %get3A_629 = tpu.vector_load %arg8[%get3A_628] {strides = array<i32>} : memref<512xi32, #tpu.memory_space<vmem>>, vector<16xi32>,
    %get3A_630 = vector.shape_cast %get3A_629 : vector<16xi32> to vector<16xi32>
    %shift_right_arithmetic3A_631 = arith.constant 15 : i32
    %shift_right_arithmetic3A_632 = vector.broadcast %shift_right_arithmetic3A_631 : i32 to vector<16xi32>
    %shift_right_arithmetic3A_633 = arith.shrsi %get3A_630, %shift_right_arithmetic3A_632 : vector<16xi32>
    %shift_left3A_634 = arith.constant 12 : i32
    %shift_left3A_635 = vector.broadcast %shift_left3A_634 : i32 to vector<16xi32>
    %shift_left3A_636 = arith.shli %shift_right_arithmetic3A_633, %shift_left3A_635 : vector<16xi32>
    %shift_right_arithmetic3A_637 = arith.constant 1 : i32
    %shift_right_arithmetic3A_638 = vector.broadcast %shift_right_arithmetic3A_637 : i32 to vector<16xi32>
    %shift_right_arithmetic3A_639 = arith.shrsi %get3A_630, %shift_right_arithmetic3A_638 : vector<16xi32>
    %and3A_640 = arith.constant 4095 : i32
    %and3A_641 = vector.broadcast %and3A_640 : i32 to vector<16xi32>
    %and3A_642 = arith.andi %shift_right_arithmetic3A_639, %and3A_641 : vector<16xi32>
    %add3A_643 = arith.addi %shift_left3A_636, %and3A_642 : vector<16xi32>
    %swap3A_644 = arith.constant 336 : index
    %swap3A_645 = tpu.vector_load %arg10[%swap3A_644] {strides = array<i32>} : memref<512xi32, #tpu.memory_space<vmem>>, vector<16xi32>,
    %swap3A_646 = vector.shape_cast %swap3A_645 : vector<16xi32> to vector<16xi32>
    %swap3A_647 = vector.shape_cast %add3A_643 : vector<16xi32> to vector<16xi32>
    tpu.vector_store %arg10[%swap3A_644], %swap3A_647 {strides = array<i32>} : memref<512xi32, #tpu.memory_space<vmem>>, vector<16xi32>,
    %get3A_648 = arith.constant 336 : index
    %get3A_649 = tpu.vector_load %arg9[%get3A_648] {strides = array<i32>} : memref<512xi32, #tpu.memory_space<vmem>>, vector<16xi32>,
    %get3A_650 = vector.shape_cast %get3A_649 : vector<16xi32> to vector<16xi32>
    %shift_right_arithmetic3A_651 = arith.constant 2 : i32
    %shift_right_arithmetic3A_652 = vector.broadcast %shift_right_arithmetic3A_651 : i32 to vector<16xi32>
    %shift_right_arithmetic3A_653 = arith.shrsi %get3A_650, %shift_right_arithmetic3A_652 : vector<16xi32>
    %swap3A_654 = arith.constant 336 : index
    %swap3A_655 = tpu.vector_load %arg11[%swap3A_654] {strides = array<i32>} : memref<512xi32, #tpu.memory_space<vmem>>, vector<16xi32>,
    %swap3A_656 = vector.shape_cast %swap3A_655 : vector<16xi32> to vector<16xi32>
    %swap3A_657 = vector.shape_cast %shift_right_arithmetic3A_653 : vector<16xi32> to vector<16xi32>
    tpu.vector_store %arg11[%swap3A_654], %swap3A_657 {strides = array<i32>} : memref<512xi32, #tpu.memory_space<vmem>>, vector<16xi32>,
    %get3A_658 = arith.constant 352 : index
    %get3A_659 = tpu.vector_load %arg8[%get3A_658] {strides = array<i32>} : memref<512xi32, #tpu.memory_space<vmem>>, vector<16xi32>,
    %get3A_660 = vector.shape_cast %get3A_659 : vector<16xi32> to vector<16xi32>
    %shift_right_arithmetic3A_661 = arith.constant 15 : i32
    %shift_right_arithmetic3A_662 = vector.broadcast %shift_right_arithmetic3A_661 : i32 to vector<16xi32>
    %shift_right_arithmetic3A_663 = arith.shrsi %get3A_660, %shift_right_arithmetic3A_662 : vector<16xi32>
    %shift_left3A_664 = arith.constant 12 : i32
    %shift_left3A_665 = vector.broadcast %shift_left3A_664 : i32 to vector<16xi32>
    %shift_left3A_666 = arith.shli %shift_right_arithmetic3A_663, %shift_left3A_665 : vector<16xi32>
    %shift_right_arithmetic3A_667 = arith.constant 1 : i32
    %shift_right_arithmetic3A_668 = vector.broadcast %shift_right_arithmetic3A_667 : i32 to vector<16xi32>
    %shift_right_arithmetic3A_669 = arith.shrsi %get3A_660, %shift_right_arithmetic3A_668 : vector<16xi32>
    %and3A_670 = arith.constant 4095 : i32
    %and3A_671 = vector.broadcast %and3A_670 : i32 to vector<16xi32>
    %and3A_672 = arith.andi %shift_right_arithmetic3A_669, %and3A_671 : vector<16xi32>
    %add3A_673 = arith.addi %shift_left3A_666, %and3A_672 : vector<16xi32>
    %swap3A_674 = arith.constant 352 : index
    %swap3A_675 = tpu.vector_load %arg10[%swap3A_674] {strides = array<i32>} : memref<512xi32, #tpu.memory_space<vmem>>, vector<16xi32>,
    %swap3A_676 = vector.shape_cast %swap3A_675 : vector<16xi32> to vector<16xi32>
    %swap3A_677 = vector.shape_cast %add3A_673 : vector<16xi32> to vector<16xi32>
    tpu.vector_store %arg10[%swap3A_674], %swap3A_677 {strides = array<i32>} : memref<512xi32, #tpu.memory_space<vmem>>, vector<16xi32>,
    %get3A_678 = arith.constant 352 : index
    %get3A_679 = tpu.vector_load %arg9[%get3A_678] {strides = array<i32>} : memref<512xi32, #tpu.memory_space<vmem>>, vector<16xi32>,
    %get3A_680 = vector.shape_cast %get3A_679 : vector<16xi32> to vector<16xi32>
    %shift_right_arithmetic3A_681 = arith.constant 2 : i32
    %shift_right_arithmetic3A_682 = vector.broadcast %shift_right_arithmetic3A_681 : i32 to vector<16xi32>
    %shift_right_arithmetic3A_683 = arith.shrsi %get3A_680, %shift_right_arithmetic3A_682 : vector<16xi32>
    %swap3A_684 = arith.constant 352 : index
    %swap3A_685 = tpu.vector_load %arg11[%swap3A_684] {strides = array<i32>} : memref<512xi32, #tpu.memory_space<vmem>>, vector<16xi32>,
    %swap3A_686 = vector.shape_cast %swap3A_685 : vector<16xi32> to vector<16xi32>
    %swap3A_687 = vector.shape_cast %shift_right_arithmetic3A_683 : vector<16xi32> to vector<16xi32>
    tpu.vector_store %arg11[%swap3A_684], %swap3A_687 {strides = array<i32>} : memref<512xi32, #tpu.memory_space<vmem>>, vector<16xi32>,
    %get3A_688 = arith.constant 368 : index
    %get3A_689 = tpu.vector_load %arg8[%get3A_688] {strides = array<i32>} : memref<512xi32, #tpu.memory_space<vmem>>, vector<16xi32>,
    %get3A_690 = vector.shape_cast %get3A_689 : vector<16xi32> to vector<16xi32>
    %shift_right_arithmetic3A_691 = arith.constant 15 : i32
    %shift_right_arithmetic3A_692 = vector.broadcast %shift_right_arithmetic3A_691 : i32 to vector<16xi32>
    %shift_right_arithmetic3A_693 = arith.shrsi %get3A_690, %shift_right_arithmetic3A_692 : vector<16xi32>
    %shift_left3A_694 = arith.constant 12 : i32
    %shift_left3A_695 = vector.broadcast %shift_left3A_694 : i32 to vector<16xi32>
    %shift_left3A_696 = arith.shli %shift_right_arithmetic3A_693, %shift_left3A_695 : vector<16xi32>
    %shift_right_arithmetic3A_697 = arith.constant 1 : i32
    %shift_right_arithmetic3A_698 = vector.broadcast %shift_right_arithmetic3A_697 : i32 to vector<16xi32>
    %shift_right_arithmetic3A_699 = arith.shrsi %get3A_690, %shift_right_arithmetic3A_698 : vector<16xi32>
    %and3A_700 = arith.constant 4095 : i32
    %and3A_701 = vector.broadcast %and3A_700 : i32 to vector<16xi32>
    %and3A_702 = arith.andi %shift_right_arithmetic3A_699, %and3A_701 : vector<16xi32>
    %add3A_703 = arith.addi %shift_left3A_696, %and3A_702 : vector<16xi32>
    %swap3A_704 = arith.constant 368 : index
    %swap3A_705 = tpu.vector_load %arg10[%swap3A_704] {strides = array<i32>} : memref<512xi32, #tpu.memory_space<vmem>>, vector<16xi32>,
    %swap3A_706 = vector.shape_cast %swap3A_705 : vector<16xi32> to vector<16xi32>
    %swap3A_707 = vector.shape_cast %add3A_703 : vector<16xi32> to vector<16xi32>
    tpu.vector_store %arg10[%swap3A_704], %swap3A_707 {strides = array<i32>} : memref<512xi32, #tpu.memory_space<vmem>>, vector<16xi32>,
    %get3A_708 = arith.constant 368 : index
    %get3A_709 = tpu.vector_load %arg9[%get3A_708] {strides = array<i32>} : memref<512xi32, #tpu.memory_space<vmem>>, vector<16xi32>,
    %get3A_710 = vector.shape_cast %get3A_709 : vector<16xi32> to vector<16xi32>
    %shift_right_arithmetic3A_711 = arith.constant 2 : i32
    %shift_right_arithmetic3A_712 = vector.broadcast %shift_right_arithmetic3A_711 : i32 to vector<16xi32>
    %shift_right_arithmetic3A_713 = arith.shrsi %get3A_710, %shift_right_arithmetic3A_712 : vector<16xi32>
    %swap3A_714 = arith.constant 368 : index
    %swap3A_715 = tpu.vector_load %arg11[%swap3A_714] {strides = array<i32>} : memref<512xi32, #tpu.memory_space<vmem>>, vector<16xi32>,
    %swap3A_716 = vector.shape_cast %swap3A_715 : vector<16xi32> to vector<16xi32>
    %swap3A_717 = vector.shape_cast %shift_right_arithmetic3A_713 : vector<16xi32> to vector<16xi32>
    tpu.vector_store %arg11[%swap3A_714], %swap3A_717 {strides = array<i32>} : memref<512xi32, #tpu.memory_space<vmem>>, vector<16xi32>,
    %get3A_718 = arith.constant 384 : index
    %get3A_719 = tpu.vector_load %arg8[%get3A_718] {strides = array<i32>} : memref<512xi32, #tpu.memory_space<vmem>>, vector<16xi32>,
    %get3A_720 = vector.shape_cast %get3A_719 : vector<16xi32> to vector<16xi32>
    %shift_right_arithmetic3A_721 = arith.constant 15 : i32
    %shift_right_arithmetic3A_722 = vector.broadcast %shift_right_arithmetic3A_721 : i32 to vector<16xi32>
    %shift_right_arithmetic3A_723 = arith.shrsi %get3A_720, %shift_right_arithmetic3A_722 : vector<16xi32>
    %shift_left3A_724 = arith.constant 12 : i32
    %shift_left3A_725 = vector.broadcast %shift_left3A_724 : i32 to vector<16xi32>
    %shift_left3A_726 = arith.shli %shift_right_arithmetic3A_723, %shift_left3A_725 : vector<16xi32>
    %shift_right_arithmetic3A_727 = arith.constant 1 : i32
    %shift_right_arithmetic3A_728 = vector.broadcast %shift_right_arithmetic3A_727 : i32 to vector<16xi32>
    %shift_right_arithmetic3A_729 = arith.shrsi %get3A_720, %shift_right_arithmetic3A_728 : vector<16xi32>
    %and3A_730 = arith.constant 4095 : i32
    %and3A_731 = vector.broadcast %and3A_730 : i32 to vector<16xi32>
    %and3A_732 = arith.andi %shift_right_arithmetic3A_729, %and3A_731 : vector<16xi32>
    %add3A_733 = arith.addi %shift_left3A_726, %and3A_732 : vector<16xi32>
    %swap3A_734 = arith.constant 384 : index
    %swap3A_735 = tpu.vector_load %arg10[%swap3A_734] {strides = array<i32>} : memref<512xi32, #tpu.memory_space<vmem>>, vector<16xi32>,
    %swap3A_736 = vector.shape_cast %swap3A_735 : vector<16xi32> to vector<16xi32>
    %swap3A_737 = vector.shape_cast %add3A_733 : vector<16xi32> to vector<16xi32>
    tpu.vector_store %arg10[%swap3A_734], %swap3A_737 {strides = array<i32>} : memref<512xi32, #tpu.memory_space<vmem>>, vector<16xi32>,
    %get3A_738 = arith.constant 384 : index
    %get3A_739 = tpu.vector_load %arg9[%get3A_738] {strides = array<i32>} : memref<512xi32, #tpu.memory_space<vmem>>, vector<16xi32>,
    %get3A_740 = vector.shape_cast %get3A_739 : vector<16xi32> to vector<16xi32>
    %shift_right_arithmetic3A_741 = arith.constant 2 : i32
    %shift_right_arithmetic3A_742 = vector.broadcast %shift_right_arithmetic3A_741 : i32 to vector<16xi32>
    %shift_right_arithmetic3A_743 = arith.shrsi %get3A_740, %shift_right_arithmetic3A_742 : vector<16xi32>
    %swap3A_744 = arith.constant 384 : index
    %swap3A_745 = tpu.vector_load %arg11[%swap3A_744] {strides = array<i32>} : memref<512xi32, #tpu.memory_space<vmem>>, vector<16xi32>,
    %swap3A_746 = vector.shape_cast %swap3A_745 : vector<16xi32> to vector<16xi32>
    %swap3A_747 = vector.shape_cast %shift_right_arithmetic3A_743 : vector<16xi32> to vector<16xi32>
    tpu.vector_store %arg11[%swap3A_744], %swap3A_747 {strides = array<i32>} : memref<512xi32, #tpu.memory_space<vmem>>, vector<16xi32>,
    %get3A_748 = arith.constant 400 : index
    %get3A_749 = tpu.vector_load %arg8[%get3A_748] {strides = array<i32>} : memref<512xi32, #tpu.memory_space<vmem>>, vector<16xi32>,
    %get3A_750 = vector.shape_cast %get3A_749 : vector<16xi32> to vector<16xi32>
    %shift_right_arithmetic3A_751 = arith.constant 15 : i32
    %shift_right_arithmetic3A_752 = vector.broadcast %shift_right_arithmetic3A_751 : i32 to vector<16xi32>
    %shift_right_arithmetic3A_753 = arith.shrsi %get3A_750, %shift_right_arithmetic3A_752 : vector<16xi32>
    %shift_left3A_754 = arith.constant 12 : i32
    %shift_left3A_755 = vector.broadcast %shift_left3A_754 : i32 to vector<16xi32>
    %shift_left3A_756 = arith.shli %shift_right_arithmetic3A_753, %shift_left3A_755 : vector<16xi32>
    %shift_right_arithmetic3A_757 = arith.constant 1 : i32
    %shift_right_arithmetic3A_758 = vector.broadcast %shift_right_arithmetic3A_757 : i32 to vector<16xi32>
    %shift_right_arithmetic3A_759 = arith.shrsi %get3A_750, %shift_right_arithmetic3A_758 : vector<16xi32>
    %and3A_760 = arith.constant 4095 : i32
    %and3A_761 = vector.broadcast %and3A_760 : i32 to vector<16xi32>
    %and3A_762 = arith.andi %shift_right_arithmetic3A_759, %and3A_761 : vector<16xi32>
    %add3A_763 = arith.addi %shift_left3A_756, %and3A_762 : vector<16xi32>
    %swap3A_764 = arith.constant 400 : index
    %swap3A_765 = tpu.vector_load %arg10[%swap3A_764] {strides = array<i32>} : memref<512xi32, #tpu.memory_space<vmem>>, vector<16xi32>,
    %swap3A_766 = vector.shape_cast %swap3A_765 : vector<16xi32> to vector<16xi32>
    %swap3A_767 = vector.shape_cast %add3A_763 : vector<16xi32> to vector<16xi32>
    tpu.vector_store %arg10[%swap3A_764], %swap3A_767 {strides = array<i32>} : memref<512xi32, #tpu.memory_space<vmem>>, vector<16xi32>,
    %get3A_768 = arith.constant 400 : index
    %get3A_769 = tpu.vector_load %arg9[%get3A_768] {strides = array<i32>} : memref<512xi32, #tpu.memory_space<vmem>>, vector<16xi32>,
    %get3A_770 = vector.shape_cast %get3A_769 : vector<16xi32> to vector<16xi32>
    %shift_right_arithmetic3A_771 = arith.constant 2 : i32
    %shift_right_arithmetic3A_772 = vector.broadcast %shift_right_arithmetic3A_771 : i32 to vector<16xi32>
    %shift_right_arithmetic3A_773 = arith.shrsi %get3A_770, %shift_right_arithmetic3A_772 : vector<16xi32>
    %swap3A_774 = arith.constant 400 : index
    %swap3A_775 = tpu.vector_load %arg11[%swap3A_774] {strides = array<i32>} : memref<512xi32, #tpu.memory_space<vmem>>, vector<16xi32>,
    %swap3A_776 = vector.shape_cast %swap3A_775 : vector<16xi32> to vector<16xi32>
    %swap3A_777 = vector.shape_cast %shift_right_arithmetic3A_773 : vector<16xi32> to vector<16xi32>
    tpu.vector_store %arg11[%swap3A_774], %swap3A_777 {strides = array<i32>} : memref<512xi32, #tpu.memory_space<vmem>>, vector<16xi32>,
    %get3A_778 = arith.constant 416 : index
    %get3A_779 = tpu.vector_load %arg8[%get3A_778] {strides = array<i32>} : memref<512xi32, #tpu.memory_space<vmem>>, vector<16xi32>,
    %get3A_780 = vector.shape_cast %get3A_779 : vector<16xi32> to vector<16xi32>
    %shift_right_arithmetic3A_781 = arith.constant 15 : i32
    %shift_right_arithmetic3A_782 = vector.broadcast %shift_right_arithmetic3A_781 : i32 to vector<16xi32>
    %shift_right_arithmetic3A_783 = arith.shrsi %get3A_780, %shift_right_arithmetic3A_782 : vector<16xi32>
    %shift_left3A_784 = arith.constant 12 : i32
    %shift_left3A_785 = vector.broadcast %shift_left3A_784 : i32 to vector<16xi32>
    %shift_left3A_786 = arith.shli %shift_right_arithmetic3A_783, %shift_left3A_785 : vector<16xi32>
    %shift_right_arithmetic3A_787 = arith.constant 1 : i32
    %shift_right_arithmetic3A_788 = vector.broadcast %shift_right_arithmetic3A_787 : i32 to vector<16xi32>
    %shift_right_arithmetic3A_789 = arith.shrsi %get3A_780, %shift_right_arithmetic3A_788 : vector<16xi32>
    %and3A_790 = arith.constant 4095 : i32
    %and3A_791 = vector.broadcast %and3A_790 : i32 to vector<16xi32>
    %and3A_792 = arith.andi %shift_right_arithmetic3A_789, %and3A_791 : vector<16xi32>
    %add3A_793 = arith.addi %shift_left3A_786, %and3A_792 : vector<16xi32>
    %swap3A_794 = arith.constant 416 : index
    %swap3A_795 = tpu.vector_load %arg10[%swap3A_794] {strides = array<i32>} : memref<512xi32, #tpu.memory_space<vmem>>, vector<16xi32>,
    %swap3A_796 = vector.shape_cast %swap3A_795 : vector<16xi32> to vector<16xi32>
    %swap3A_797 = vector.shape_cast %add3A_793 : vector<16xi32> to vector<16xi32>
    tpu.vector_store %arg10[%swap3A_794], %swap3A_797 {strides = array<i32>} : memref<512xi32, #tpu.memory_space<vmem>>, vector<16xi32>,
    %get3A_798 = arith.constant 416 : index
    %get3A_799 = tpu.vector_load %arg9[%get3A_798] {strides = array<i32>} : memref<512xi32, #tpu.memory_space<vmem>>, vector<16xi32>,
    %get3A_800 = vector.shape_cast %get3A_799 : vector<16xi32> to vector<16xi32>
    %shift_right_arithmetic3A_801 = arith.constant 2 : i32
    %shift_right_arithmetic3A_802 = vector.broadcast %shift_right_arithmetic3A_801 : i32 to vector<16xi32>
    %shift_right_arithmetic3A_803 = arith.shrsi %get3A_800, %shift_right_arithmetic3A_802 : vector<16xi32>
    %swap3A_804 = arith.constant 416 : index
    %swap3A_805 = tpu.vector_load %arg11[%swap3A_804] {strides = array<i32>} : memref<512xi32, #tpu.memory_space<vmem>>, vector<16xi32>,
    %swap3A_806 = vector.shape_cast %swap3A_805 : vector<16xi32> to vector<16xi32>
    %swap3A_807 = vector.shape_cast %shift_right_arithmetic3A_803 : vector<16xi32> to vector<16xi32>
    tpu.vector_store %arg11[%swap3A_804], %swap3A_807 {strides = array<i32>} : memref<512xi32, #tpu.memory_space<vmem>>, vector<16xi32>,
    %get3A_808 = arith.constant 432 : index
    %get3A_809 = tpu.vector_load %arg8[%get3A_808] {strides = array<i32>} : memref<512xi32, #tpu.memory_space<vmem>>, vector<16xi32>,
    %get3A_810 = vector.shape_cast %get3A_809 : vector<16xi32> to vector<16xi32>
    %shift_right_arithmetic3A_811 = arith.constant 15 : i32
    %shift_right_arithmetic3A_812 = vector.broadcast %shift_right_arithmetic3A_811 : i32 to vector<16xi32>
    %shift_right_arithmetic3A_813 = arith.shrsi %get3A_810, %shift_right_arithmetic3A_812 : vector<16xi32>
    %shift_left3A_814 = arith.constant 12 : i32
    %shift_left3A_815 = vector.broadcast %shift_left3A_814 : i32 to vector<16xi32>
    %shift_left3A_816 = arith.shli %shift_right_arithmetic3A_813, %shift_left3A_815 : vector<16xi32>
    %shift_right_arithmetic3A_817 = arith.constant 1 : i32
    %shift_right_arithmetic3A_818 = vector.broadcast %shift_right_arithmetic3A_817 : i32 to vector<16xi32>
    %shift_right_arithmetic3A_819 = arith.shrsi %get3A_810, %shift_right_arithmetic3A_818 : vector<16xi32>
    %and3A_820 = arith.constant 4095 : i32
    %and3A_821 = vector.broadcast %and3A_820 : i32 to vector<16xi32>
    %and3A_822 = arith.andi %shift_right_arithmetic3A_819, %and3A_821 : vector<16xi32>
    %add3A_823 = arith.addi %shift_left3A_816, %and3A_822 : vector<16xi32>
    %swap3A_824 = arith.constant 432 : index
    %swap3A_825 = tpu.vector_load %arg10[%swap3A_824] {strides = array<i32>} : memref<512xi32, #tpu.memory_space<vmem>>, vector<16xi32>,
    %swap3A_826 = vector.shape_cast %swap3A_825 : vector<16xi32> to vector<16xi32>
    %swap3A_827 = vector.shape_cast %add3A_823 : vector<16xi32> to vector<16xi32>
    tpu.vector_store %arg10[%swap3A_824], %swap3A_827 {strides = array<i32>} : memref<512xi32, #tpu.memory_space<vmem>>, vector<16xi32>,
    %get3A_828 = arith.constant 432 : index
    %get3A_829 = tpu.vector_load %arg9[%get3A_828] {strides = array<i32>} : memref<512xi32, #tpu.memory_space<vmem>>, vector<16xi32>,
    %get3A_830 = vector.shape_cast %get3A_829 : vector<16xi32> to vector<16xi32>
    %shift_right_arithmetic3A_831 = arith.constant 2 : i32
    %shift_right_arithmetic3A_832 = vector.broadcast %shift_right_arithmetic3A_831 : i32 to vector<16xi32>
    %shift_right_arithmetic3A_833 = arith.shrsi %get3A_830, %shift_right_arithmetic3A_832 : vector<16xi32>
    %swap3A_834 = arith.constant 432 : index
    %swap3A_835 = tpu.vector_load %arg11[%swap3A_834] {strides = array<i32>} : memref<512xi32, #tpu.memory_space<vmem>>, vector<16xi32>,
    %swap3A_836 = vector.shape_cast %swap3A_835 : vector<16xi32> to vector<16xi32>
    %swap3A_837 = vector.shape_cast %shift_right_arithmetic3A_833 : vector<16xi32> to vector<16xi32>
    tpu.vector_store %arg11[%swap3A_834], %swap3A_837 {strides = array<i32>} : memref<512xi32, #tpu.memory_space<vmem>>, vector<16xi32>,
    %get3A_838 = arith.constant 448 : index
    %get3A_839 = tpu.vector_load %arg8[%get3A_838] {strides = array<i32>} : memref<512xi32, #tpu.memory_space<vmem>>, vector<16xi32>,
    %get3A_840 = vector.shape_cast %get3A_839 : vector<16xi32> to vector<16xi32>
    %shift_right_arithmetic3A_841 = arith.constant 15 : i32
    %shift_right_arithmetic3A_842 = vector.broadcast %shift_right_arithmetic3A_841 : i32 to vector<16xi32>
    %shift_right_arithmetic3A_843 = arith.shrsi %get3A_840, %shift_right_arithmetic3A_842 : vector<16xi32>
    %shift_left3A_844 = arith.constant 12 : i32
    %shift_left3A_845 = vector.broadcast %shift_left3A_844 : i32 to vector<16xi32>
    %shift_left3A_846 = arith.shli %shift_right_arithmetic3A_843, %shift_left3A_845 : vector<16xi32>
    %shift_right_arithmetic3A_847 = arith.constant 1 : i32
    %shift_right_arithmetic3A_848 = vector.broadcast %shift_right_arithmetic3A_847 : i32 to vector<16xi32>
    %shift_right_arithmetic3A_849 = arith.shrsi %get3A_840, %shift_right_arithmetic3A_848 : vector<16xi32>
    %and3A_850 = arith.constant 4095 : i32
    %and3A_851 = vector.broadcast %and3A_850 : i32 to vector<16xi32>
    %and3A_852 = arith.andi %shift_right_arithmetic3A_849, %and3A_851 : vector<16xi32>
    %add3A_853 = arith.addi %shift_left3A_846, %and3A_852 : vector<16xi32>
    %swap3A_854 = arith.constant 448 : index
    %swap3A_855 = tpu.vector_load %arg10[%swap3A_854] {strides = array<i32>} : memref<512xi32, #tpu.memory_space<vmem>>, vector<16xi32>,
    %swap3A_856 = vector.shape_cast %swap3A_855 : vector<16xi32> to vector<16xi32>
    %swap3A_857 = vector.shape_cast %add3A_853 : vector<16xi32> to vector<16xi32>
    tpu.vector_store %arg10[%swap3A_854], %swap3A_857 {strides = array<i32>} : memref<512xi32, #tpu.memory_space<vmem>>, vector<16xi32>,
    %get3A_858 = arith.constant 448 : index
    %get3A_859 = tpu.vector_load %arg9[%get3A_858] {strides = array<i32>} : memref<512xi32, #tpu.memory_space<vmem>>, vector<16xi32>,
    %get3A_860 = vector.shape_cast %get3A_859 : vector<16xi32> to vector<16xi32>
    %shift_right_arithmetic3A_861 = arith.constant 2 : i32
    %shift_right_arithmetic3A_862 = vector.broadcast %shift_right_arithmetic3A_861 : i32 to vector<16xi32>
    %shift_right_arithmetic3A_863 = arith.shrsi %get3A_860, %shift_right_arithmetic3A_862 : vector<16xi32>
    %swap3A_864 = arith.constant 448 : index
    %swap3A_865 = tpu.vector_load %arg11[%swap3A_864] {strides = array<i32>} : memref<512xi32, #tpu.memory_space<vmem>>, vector<16xi32>,
    %swap3A_866 = vector.shape_cast %swap3A_865 : vector<16xi32> to vector<16xi32>
    %swap3A_867 = vector.shape_cast %shift_right_arithmetic3A_863 : vector<16xi32> to vector<16xi32>
    tpu.vector_store %arg11[%swap3A_864], %swap3A_867 {strides = array<i32>} : memref<512xi32, #tpu.memory_space<vmem>>, vector<16xi32>,
    %get3A_868 = arith.constant 464 : index
    %get3A_869 = tpu.vector_load %arg8[%get3A_868] {strides = array<i32>} : memref<512xi32, #tpu.memory_space<vmem>>, vector<16xi32>,
    %get3A_870 = vector.shape_cast %get3A_869 : vector<16xi32> to vector<16xi32>
    %shift_right_arithmetic3A_871 = arith.constant 15 : i32
    %shift_right_arithmetic3A_872 = vector.broadcast %shift_right_arithmetic3A_871 : i32 to vector<16xi32>
    %shift_right_arithmetic3A_873 = arith.shrsi %get3A_870, %shift_right_arithmetic3A_872 : vector<16xi32>
    %shift_left3A_874 = arith.constant 12 : i32
    %shift_left3A_875 = vector.broadcast %shift_left3A_874 : i32 to vector<16xi32>
    %shift_left3A_876 = arith.shli %shift_right_arithmetic3A_873, %shift_left3A_875 : vector<16xi32>
    %shift_right_arithmetic3A_877 = arith.constant 1 : i32
    %shift_right_arithmetic3A_878 = vector.broadcast %shift_right_arithmetic3A_877 : i32 to vector<16xi32>
    %shift_right_arithmetic3A_879 = arith.shrsi %get3A_870, %shift_right_arithmetic3A_878 : vector<16xi32>
    %and3A_880 = arith.constant 4095 : i32
    %and3A_881 = vector.broadcast %and3A_880 : i32 to vector<16xi32>
    %and3A_882 = arith.andi %shift_right_arithmetic3A_879, %and3A_881 : vector<16xi32>
    %add3A_883 = arith.addi %shift_left3A_876, %and3A_882 : vector<16xi32>
    %swap3A_884 = arith.constant 464 : index
    %swap3A_885 = tpu.vector_load %arg10[%swap3A_884] {strides = array<i32>} : memref<512xi32, #tpu.memory_space<vmem>>, vector<16xi32>,
    %swap3A_886 = vector.shape_cast %swap3A_885 : vector<16xi32> to vector<16xi32>
    %swap3A_887 = vector.shape_cast %add3A_883 : vector<16xi32> to vector<16xi32>
    tpu.vector_store %arg10[%swap3A_884], %swap3A_887 {strides = array<i32>} : memref<512xi32, #tpu.memory_space<vmem>>, vector<16xi32>,
    %get3A_888 = arith.constant 464 : index
    %get3A_889 = tpu.vector_load %arg9[%get3A_888] {strides = array<i32>} : memref<512xi32, #tpu.memory_space<vmem>>, vector<16xi32>,
    %get3A_890 = vector.shape_cast %get3A_889 : vector<16xi32> to vector<16xi32>
    %shift_right_arithmetic3A_891 = arith.constant 2 : i32
    %shift_right_arithmetic3A_892 = vector.broadcast %shift_right_arithmetic3A_891 : i32 to vector<16xi32>
    %shift_right_arithmetic3A_893 = arith.shrsi %get3A_890, %shift_right_arithmetic3A_892 : vector<16xi32>
    %swap3A_894 = arith.constant 464 : index
    %swap3A_895 = tpu.vector_load %arg11[%swap3A_894] {strides = array<i32>} : memref<512xi32, #tpu.memory_space<vmem>>, vector<16xi32>,
    %swap3A_896 = vector.shape_cast %swap3A_895 : vector<16xi32> to vector<16xi32>
    %swap3A_897 = vector.shape_cast %shift_right_arithmetic3A_893 : vector<16xi32> to vector<16xi32>
    tpu.vector_store %arg11[%swap3A_894], %swap3A_897 {strides = array<i32>} : memref<512xi32, #tpu.memory_space<vmem>>, vector<16xi32>,
    %get3A_898 = arith.constant 480 : index
    %get3A_899 = tpu.vector_load %arg8[%get3A_898] {strides = array<i32>} : memref<512xi32, #tpu.memory_space<vmem>>, vector<16xi32>,
    %get3A_900 = vector.shape_cast %get3A_899 : vector<16xi32> to vector<16xi32>
    %shift_right_arithmetic3A_901 = arith.constant 15 : i32
    %shift_right_arithmetic3A_902 = vector.broadcast %shift_right_arithmetic3A_901 : i32 to vector<16xi32>
    %shift_right_arithmetic3A_903 = arith.shrsi %get3A_900, %shift_right_arithmetic3A_902 : vector<16xi32>
    %shift_left3A_904 = arith.constant 12 : i32
    %shift_left3A_905 = vector.broadcast %shift_left3A_904 : i32 to vector<16xi32>
    %shift_left3A_906 = arith.shli %shift_right_arithmetic3A_903, %shift_left3A_905 : vector<16xi32>
    %shift_right_arithmetic3A_907 = arith.constant 1 : i32
    %shift_right_arithmetic3A_908 = vector.broadcast %shift_right_arithmetic3A_907 : i32 to vector<16xi32>
    %shift_right_arithmetic3A_909 = arith.shrsi %get3A_900, %shift_right_arithmetic3A_908 : vector<16xi32>
    %and3A_910 = arith.constant 4095 : i32
    %and3A_911 = vector.broadcast %and3A_910 : i32 to vector<16xi32>
    %and3A_912 = arith.andi %shift_right_arithmetic3A_909, %and3A_911 : vector<16xi32>
    %add3A_913 = arith.addi %shift_left3A_906, %and3A_912 : vector<16xi32>
    %swap3A_914 = arith.constant 480 : index
    %swap3A_915 = tpu.vector_load %arg10[%swap3A_914] {strides = array<i32>} : memref<512xi32, #tpu.memory_space<vmem>>, vector<16xi32>,
    %swap3A_916 = vector.shape_cast %swap3A_915 : vector<16xi32> to vector<16xi32>
    %swap3A_917 = vector.shape_cast %add3A_913 : vector<16xi32> to vector<16xi32>
    tpu.vector_store %arg10[%swap3A_914], %swap3A_917 {strides = array<i32>} : memref<512xi32, #tpu.memory_space<vmem>>, vector<16xi32>,
    %get3A_918 = arith.constant 480 : index
    %get3A_919 = tpu.vector_load %arg9[%get3A_918] {strides = array<i32>} : memref<512xi32, #tpu.memory_space<vmem>>, vector<16xi32>,
    %get3A_920 = vector.shape_cast %get3A_919 : vector<16xi32> to vector<16xi32>
    %shift_right_arithmetic3A_921 = arith.constant 2 : i32
    %shift_right_arithmetic3A_922 = vector.broadcast %shift_right_arithmetic3A_921 : i32 to vector<16xi32>
    %shift_right_arithmetic3A_923 = arith.shrsi %get3A_920, %shift_right_arithmetic3A_922 : vector<16xi32>
    %swap3A_924 = arith.constant 480 : index
    %swap3A_925 = tpu.vector_load %arg11[%swap3A_924] {strides = array<i32>} : memref<512xi32, #tpu.memory_space<vmem>>, vector<16xi32>,
    %swap3A_926 = vector.shape_cast %swap3A_925 : vector<16xi32> to vector<16xi32>
    %swap3A_927 = vector.shape_cast %shift_right_arithmetic3A_923 : vector<16xi32> to vector<16xi32>
    tpu.vector_store %arg11[%swap3A_924], %swap3A_927 {strides = array<i32>} : memref<512xi32, #tpu.memory_space<vmem>>, vector<16xi32>,
    %get3A_928 = arith.constant 496 : index
    %get3A_929 = tpu.vector_load %arg8[%get3A_928] {strides = array<i32>} : memref<512xi32, #tpu.memory_space<vmem>>, vector<16xi32>,
    %get3A_930 = vector.shape_cast %get3A_929 : vector<16xi32> to vector<16xi32>
    %shift_right_arithmetic3A_931 = arith.constant 15 : i32
    %shift_right_arithmetic3A_932 = vector.broadcast %shift_right_arithmetic3A_931 : i32 to vector<16xi32>
    %shift_right_arithmetic3A_933 = arith.shrsi %get3A_930, %shift_right_arithmetic3A_932 : vector<16xi32>
    %shift_left3A_934 = arith.constant 12 : i32
    %shift_left3A_935 = vector.broadcast %shift_left3A_934 : i32 to vector<16xi32>
    %shift_left3A_936 = arith.shli %shift_right_arithmetic3A_933, %shift_left3A_935 : vector<16xi32>
    %shift_right_arithmetic3A_937 = arith.constant 1 : i32
    %shift_right_arithmetic3A_938 = vector.broadcast %shift_right_arithmetic3A_937 : i32 to vector<16xi32>
    %shift_right_arithmetic3A_939 = arith.shrsi %get3A_930, %shift_right_arithmetic3A_938 : vector<16xi32>
    %and3A_940 = arith.constant 4095 : i32
    %and3A_941 = vector.broadcast %and3A_940 : i32 to vector<16xi32>
    %and3A_942 = arith.andi %shift_right_arithmetic3A_939, %and3A_941 : vector<16xi32>
    %add3A_943 = arith.addi %shift_left3A_936, %and3A_942 : vector<16xi32>
    %swap3A_944 = arith.constant 496 : index
    %swap3A_945 = tpu.vector_load %arg10[%swap3A_944] {strides = array<i32>} : memref<512xi32, #tpu.memory_space<vmem>>, vector<16xi32>,
    %swap3A_946 = vector.shape_cast %swap3A_945 : vector<16xi32> to vector<16xi32>
    %swap3A_947 = vector.shape_cast %add3A_943 : vector<16xi32> to vector<16xi32>
    tpu.vector_store %arg10[%swap3A_944], %swap3A_947 {strides = array<i32>} : memref<512xi32, #tpu.memory_space<vmem>>, vector<16xi32>,
    %get3A_948 = arith.constant 496 : index
    %get3A_949 = tpu.vector_load %arg9[%get3A_948] {strides = array<i32>} : memref<512xi32, #tpu.memory_space<vmem>>, vector<16xi32>,
    %get3A_950 = vector.shape_cast %get3A_949 : vector<16xi32> to vector<16xi32>
    %shift_right_arithmetic3A_951 = arith.constant 2 : i32
    %shift_right_arithmetic3A_952 = vector.broadcast %shift_right_arithmetic3A_951 : i32 to vector<16xi32>
    %shift_right_arithmetic3A_953 = arith.shrsi %get3A_950, %shift_right_arithmetic3A_952 : vector<16xi32>
    %swap3A_954 = arith.constant 496 : index
    %swap3A_955 = tpu.vector_load %arg11[%swap3A_954] {strides = array<i32>} : memref<512xi32, #tpu.memory_space<vmem>>, vector<16xi32>,
    %swap3A_956 = vector.shape_cast %swap3A_955 : vector<16xi32> to vector<16xi32>
    %swap3A_957 = vector.shape_cast %shift_right_arithmetic3A_953 : vector<16xi32> to vector<16xi32>
    tpu.vector_store %arg11[%swap3A_954], %swap3A_957 {strides = array<i32>} : memref<512xi32, #tpu.memory_space<vmem>>, vector<16xi32>,
    %dma_start3A = arith.constant 0 : i32
    %dma_start3A_958 = arith.constant 0 : i32
    %dma_start3A_959 = tpu.memref_slice %arg4[%dma_start3A, %dma_start3A_958] : memref<126976x128xf32, #tpu.memory_space<hbm>> -> memref<126976x128xf32, #tpu.memory_space<hbm>>
    tpu.enqueue_indirect_dma source(%dma_start3A_959 : memref<126976x128xf32, #tpu.memory_space<hbm>>) target(%arg12 : memref<512x128xf32, #tpu.memory_space<vmem>>) offsets(%arg10 : memref<512xi32, #tpu.memory_space<vmem>>) semaphore(%arg14 : memref<!tpu.dma_semaphore, #tpu.memory_space<semaphore_mem>>)
    %dma_start3A_960 = arith.constant 0 : i32
    %dma_start3A_961 = tpu.memref_slice %arg11[%dma_start3A_960] : memref<512xi32, #tpu.memory_space<vmem>> -> memref<256xi32, #tpu.memory_space<vmem>>
    %dma_start3A_962 = arith.constant 0 : i32
    %dma_start3A_963 = arith.constant 0 : i32
    %dma_start3A_964 = tpu.memref_slice %arg5[%dma_start3A_962, %dma_start3A_963] : memref<250x128xf32, #tpu.memory_space<hbm>> -> memref<250x128xf32, #tpu.memory_space<hbm>>
    tpu.enqueue_indirect_dma source(%dma_start3A_964 : memref<250x128xf32, #tpu.memory_space<hbm>>) target(%arg13 : memref<256x128xf32, #tpu.memory_space<vmem>>) offsets(%dma_start3A_961 : memref<256xi32, #tpu.memory_space<vmem>>) semaphore(%arg15 : memref<!tpu.dma_semaphore, #tpu.memory_space<semaphore_mem>>)
    %dma_wait3A = arith.constant 0 : i32
    %dma_wait3A_965 = tpu.memref_slice %arg11[%dma_wait3A] : memref<512xi32, #tpu.memory_space<vmem>> -> memref<256xi32, #tpu.memory_space<vmem>>
    %dma_wait3A_966 = arith.constant 0 : i32
    %dma_wait3A_967 = arith.constant 0 : i32
    %dma_wait3A_968 = tpu.memref_slice %arg5[%dma_wait3A_966, %dma_wait3A_967] : memref<250x128xf32, #tpu.memory_space<hbm>> -> memref<250x128xf32, #tpu.memory_space<hbm>>
    tpu.wait_indirect_dma semaphore(%arg15 : memref<!tpu.dma_semaphore, #tpu.memory_space<semaphore_mem>>) src(%dma_wait3A_968 : memref<250x128xf32, #tpu.memory_space<hbm>>) dst(%arg13 : memref<256x128xf32, #tpu.memory_space<vmem>>)
    %add3A_969 = arith.constant 0 : i32
    %add3A_970 = arith.addi %mul3A_2, %add3A_969 : i32
    "tpu.region"() ({
      %run_scoped3A = tpu.sem_alloc : memref<!tpu.dma_semaphore, #tpu.memory_space<semaphore_mem>>
      %dma_start3A_986 = arith.constant 0 : i32
      %dma_start3A_987 = tpu.memref_slice %arg7[%add3A_970, %dma_start3A_986] : memref<16384x128xf32, #tpu.memory_space<hbm>> -> memref<256x128xf32, #tpu.memory_space<hbm>>
      %dma_start3A_988 = arith.constant 0 : i32
      %dma_start3A_989 = tpu.memref_slice %arg7[%add3A_970, %dma_start3A_988] : memref<16384x128xf32, #tpu.memory_space<hbm>> -> memref<256x128xf32, #tpu.memory_space<hbm>>
      tpu.enqueue_dma source(%arg13 : memref<256x128xf32, #tpu.memory_space<vmem>>) target(%dma_start3A_989 : memref<256x128xf32, #tpu.memory_space<hbm>>) target_semaphore(%run_scoped3A : memref<!tpu.dma_semaphore, #tpu.memory_space<semaphore_mem>>)
      %dma_wait3A_990 = arith.constant 0 : i32
      %dma_wait3A_991 = tpu.memref_slice %arg7[%add3A_970, %dma_wait3A_990] : memref<16384x128xf32, #tpu.memory_space<hbm>> -> memref<256x128xf32, #tpu.memory_space<hbm>>
      %dma_wait3A_992 = arith.constant 0 : i32
      %dma_wait3A_993 = tpu.memref_slice %arg7[%add3A_970, %dma_wait3A_992] : memref<16384x128xf32, #tpu.memory_space<hbm>> -> memref<256x128xf32, #tpu.memory_space<hbm>>
      tpu.wait_dma2 semaphore(%run_scoped3A : memref<!tpu.dma_semaphore, #tpu.memory_space<semaphore_mem>>) src(%arg13 : memref<256x128xf32, #tpu.memory_space<vmem>>) dst(%dma_wait3A_993 : memref<256x128xf32, #tpu.memory_space<hbm>>)
      tpu.yield
    }) : () -> ()
    %dma_start3A_971 = arith.constant 256 : i32
    %dma_start3A_972 = tpu.memref_slice %arg11[%dma_start3A_971] : memref<512xi32, #tpu.memory_space<vmem>> -> memref<256xi32, #tpu.memory_space<vmem>>
    %dma_start3A_973 = arith.constant 0 : i32
    %dma_start3A_974 = arith.constant 0 : i32
    %dma_start3A_975 = tpu.memref_slice %arg5[%dma_start3A_973, %dma_start3A_974] : memref<250x128xf32, #tpu.memory_space<hbm>> -> memref<250x128xf32, #tpu.memory_space<hbm>>
    tpu.enqueue_indirect_dma source(%dma_start3A_975 : memref<250x128xf32, #tpu.memory_space<hbm>>) target(%arg13 : memref<256x128xf32, #tpu.memory_space<vmem>>) offsets(%dma_start3A_972 : memref<256xi32, #tpu.memory_space<vmem>>) semaphore(%arg15 : memref<!tpu.dma_semaphore, #tpu.memory_space<semaphore_mem>>)
    %dma_wait3A_976 = arith.constant 256 : i32
    %dma_wait3A_977 = tpu.memref_slice %arg11[%dma_wait3A_976] : memref<512xi32, #tpu.memory_space<vmem>> -> memref<256xi32, #tpu.memory_space<vmem>>
    %dma_wait3A_978 = arith.constant 0 : i32
    %dma_wait3A_979 = arith.constant 0 : i32
    %dma_wait3A_980 = tpu.memref_slice %arg5[%dma_wait3A_978, %dma_wait3A_979] : memref<250x128xf32, #tpu.memory_space<hbm>> -> memref<250x128xf32, #tpu.memory_space<hbm>>
    tpu.wait_indirect_dma semaphore(%arg15 : memref<!tpu.dma_semaphore, #tpu.memory_space<semaphore_mem>>) src(%dma_wait3A_980 : memref<250x128xf32, #tpu.memory_space<hbm>>) dst(%arg13 : memref<256x128xf32, #tpu.memory_space<vmem>>)
    %add3A_981 = arith.constant 256 : i32
    %add3A_982 = arith.addi %mul3A_2, %add3A_981 : i32
    "tpu.region"() ({
      %run_scoped3A = tpu.sem_alloc : memref<!tpu.dma_semaphore, #tpu.memory_space<semaphore_mem>>
      %dma_start3A_986 = arith.constant 0 : i32
      %dma_start3A_987 = tpu.memref_slice %arg7[%add3A_982, %dma_start3A_986] : memref<16384x128xf32, #tpu.memory_space<hbm>> -> memref<256x128xf32, #tpu.memory_space<hbm>>
      %dma_start3A_988 = arith.constant 0 : i32
      %dma_start3A_989 = tpu.memref_slice %arg7[%add3A_982, %dma_start3A_988] : memref<16384x128xf32, #tpu.memory_space<hbm>> -> memref<256x128xf32, #tpu.memory_space<hbm>>
      tpu.enqueue_dma source(%arg13 : memref<256x128xf32, #tpu.memory_space<vmem>>) target(%dma_start3A_989 : memref<256x128xf32, #tpu.memory_space<hbm>>) target_semaphore(%run_scoped3A : memref<!tpu.dma_semaphore, #tpu.memory_space<semaphore_mem>>)
      %dma_wait3A_990 = arith.constant 0 : i32
      %dma_wait3A_991 = tpu.memref_slice %arg7[%add3A_982, %dma_wait3A_990] : memref<16384x128xf32, #tpu.memory_space<hbm>> -> memref<256x128xf32, #tpu.memory_space<hbm>>
      %dma_wait3A_992 = arith.constant 0 : i32
      %dma_wait3A_993 = tpu.memref_slice %arg7[%add3A_982, %dma_wait3A_992] : memref<16384x128xf32, #tpu.memory_space<hbm>> -> memref<256x128xf32, #tpu.memory_space<hbm>>
      tpu.wait_dma2 semaphore(%run_scoped3A : memref<!tpu.dma_semaphore, #tpu.memory_space<semaphore_mem>>) src(%arg13 : memref<256x128xf32, #tpu.memory_space<vmem>>) dst(%dma_wait3A_993 : memref<256x128xf32, #tpu.memory_space<hbm>>)
      tpu.yield
    }) : () -> ()
    %dma_wait3A_983 = arith.constant 0 : i32
    %dma_wait3A_984 = arith.constant 0 : i32
    %dma_wait3A_985 = tpu.memref_slice %arg4[%dma_wait3A_983, %dma_wait3A_984] : memref<126976x128xf32, #tpu.memory_space<hbm>> -> memref<126976x128xf32, #tpu.memory_space<hbm>>
    tpu.wait_indirect_dma semaphore(%arg14 : memref<!tpu.dma_semaphore, #tpu.memory_space<semaphore_mem>>) src(%dma_wait3A_985 : memref<126976x128xf32, #tpu.memory_space<hbm>>) dst(%arg12 : memref<512x128xf32, #tpu.memory_space<vmem>>)
    "tpu.region"() ({
      %run_scoped3A = tpu.sem_alloc : memref<!tpu.dma_semaphore, #tpu.memory_space<semaphore_mem>>
      %dma_start3A_986 = arith.constant 0 : i32
      %dma_start3A_987 = tpu.memref_slice %arg6[%mul3A_2, %dma_start3A_986] : memref<16384x128xf32, #tpu.memory_space<hbm>> -> memref<512x128xf32, #tpu.memory_space<hbm>>
      %dma_start3A_988 = arith.constant 0 : i32
      %dma_start3A_989 = tpu.memref_slice %arg6[%mul3A_2, %dma_start3A_988] : memref<16384x128xf32, #tpu.memory_space<hbm>> -> memref<512x128xf32, #tpu.memory_space<hbm>>
      tpu.enqueue_dma source(%arg12 : memref<512x128xf32, #tpu.memory_space<vmem>>) target(%dma_start3A_989 : memref<512x128xf32, #tpu.memory_space<hbm>>) target_semaphore(%run_scoped3A : memref<!tpu.dma_semaphore, #tpu.memory_space<semaphore_mem>>)
      %dma_wait3A_990 = arith.constant 0 : i32
      %dma_wait3A_991 = tpu.memref_slice %arg6[%mul3A_2, %dma_wait3A_990] : memref<16384x128xf32, #tpu.memory_space<hbm>> -> memref<512x128xf32, #tpu.memory_space<hbm>>
      %dma_wait3A_992 = arith.constant 0 : i32
      %dma_wait3A_993 = tpu.memref_slice %arg6[%mul3A_2, %dma_wait3A_992] : memref<16384x128xf32, #tpu.memory_space<hbm>> -> memref<512x128xf32, #tpu.memory_space<hbm>>
      tpu.wait_dma2 semaphore(%run_scoped3A : memref<!tpu.dma_semaphore, #tpu.memory_space<semaphore_mem>>) src(%arg12 : memref<512x128xf32, #tpu.memory_space<vmem>>) dst(%dma_wait3A_993 : memref<512x128xf32, #tpu.memory_space<hbm>>)
      tpu.yield
    }) : () -> ()
    return
  }
}

module attributes {stable_mosaic.version = 14 : i64} {
  func.func @k(%arg0: i32, %arg1: memref<32x32768xf32, #tpu.memory_space<vmem>>, %arg2: memref<4096x128xf32, #tpu.memory_space<vmem>>) attributes {dimension_semantics = [#tpu.dimension_semantics<arbitrary>], iteration_bounds = array<i64: 31>, scalar_prefetch = 0 : i64, scratch_operands = 0 : i64, tpu.core_type = #tpu.core_type<tc>, window_params = [{transform_indices = @transform_0, window_bounds = array<i64: 32, 32768>}, {transform_indices = @transform_1, window_bounds = array<i64: 4096, 128>}]} {
    %get3A = arith.constant 0 : index
    %get3A_0 = arith.constant 0 : index
    %get3A_1 = vector.load %arg1[%get3A, %get3A_0] : memref<32x32768xf32, #tpu.memory_space<vmem>>, vector<32x32768xf32>
    %convert_element_type3A = arith.truncf %get3A_1 : vector<32x32768xf32> to vector<32x32768xbf16>
    %transpose3A = tpu.transpose %convert_element_type3A, [1, 0] : vector<32x32768xbf16> -> vector<32768x32xbf16>
    %bitcast3A = tpu.bitcast %transpose3A : vector<32768x32xbf16> -> vector<16384x32xf32>
    %slice3A = vector.extract_strided_slice %bitcast3A {offsets = [0, 0], sizes = [4096, 32], strides = [1, 1]} : vector<16384x32xf32> to vector<4096x32xf32>
    %slice3A_2 = vector.extract_strided_slice %bitcast3A {offsets = [4096, 0], sizes = [4096, 32], strides = [1, 1]} : vector<16384x32xf32> to vector<4096x32xf32>
    %slice3A_3 = vector.extract_strided_slice %bitcast3A {offsets = [8192, 0], sizes = [4096, 32], strides = [1, 1]} : vector<16384x32xf32> to vector<4096x32xf32>
    %slice3A_4 = vector.extract_strided_slice %bitcast3A {offsets = [12288, 0], sizes = [4096, 32], strides = [1, 1]} : vector<16384x32xf32> to vector<4096x32xf32>
    %concatenate3A = tpu.concatenate %slice3A, %slice3A_2, %slice3A_3, %slice3A_4 in 1 : vector<4096x32xf32>, vector<4096x32xf32>, vector<4096x32xf32>, vector<4096x32xf32> -> vector<4096x128xf32>
    %swap3A = arith.constant 0 : index
    %swap3A_5 = arith.constant 0 : index
    %swap3A_6 = vector.load %arg2[%swap3A, %swap3A_5] : memref<4096x128xf32, #tpu.memory_space<vmem>>, vector<4096x128xf32>
    tpu.vector_store %arg2[%swap3A, %swap3A_5], %concatenate3A {strides = array<i32>} : memref<4096x128xf32, #tpu.memory_space<vmem>>, vector<4096x128xf32>,
    return
  }
  func.func @transform_0(%arg0: i32) -> (i32, i32) {
    %c0_i32 = arith.constant 0 : i32
    %c0_i32_0 = arith.constant 0 : i32
    return %c0_i32, %arg0 : i32, i32
  }
  func.func @transform_1(%arg0: i32) -> (i32, i32) {
    %c0_i32 = arith.constant 0 : i32
    %c0_i32_0 = arith.constant 0 : i32
    return %arg0, %c0_i32 : i32, i32
  }
}

module attributes {stable_mosaic.version = 14 : i64} {
  func.func @mlp_k(%arg0: i32, %arg1: memref<4096x128xf32, #tpu.memory_space<vmem>>, %arg2: memref<4096x128xf32, #tpu.memory_space<vmem>>, %arg3: memref<1x1x4096xi32, #tpu.memory_space<vmem>>, %arg4: memref<1x1x4096xf32, #tpu.memory_space<vmem>>, %arg5: memref<1x32xf32, #tpu.memory_space<vmem>>, %arg6: memref<1x32xf32, #tpu.memory_space<vmem>>, %arg7: memref<32x48xbf16, #tpu.memory_space<vmem>>, %arg8: memref<32x48xbf16, #tpu.memory_space<vmem>>, %arg9: memref<32x48xbf16, #tpu.memory_space<vmem>>, %arg10: memref<1x48xf32, #tpu.memory_space<vmem>>, %arg11: memref<48x64xbf16, #tpu.memory_space<vmem>>, %arg12: memref<1x64xf32, #tpu.memory_space<vmem>>, %arg13: memref<4096x64xf32, #tpu.memory_space<vmem>>) attributes {dimension_semantics = [#tpu.dimension_semantics<arbitrary>], iteration_bounds = array<i64: 4>, scalar_prefetch = 0 : i64, scratch_operands = 0 : i64, tpu.core_type = #tpu.core_type<tc>, window_params = [{transform_indices = @transform_0, window_bounds = array<i64: 4096, 128>}, {transform_indices = @transform_1, window_bounds = array<i64: 4096, 128>}, {transform_indices = @transform_2, window_bounds = array<i64: 1, 1, 4096>}, {transform_indices = @transform_3, window_bounds = array<i64: 1, 1, 4096>}, {pipeline_mode = #tpu.pipeline_mode<synchronous>, transform_indices = @transform_4, window_bounds = array<i64: 1, 32>}, {pipeline_mode = #tpu.pipeline_mode<synchronous>, transform_indices = @transform_5, window_bounds = array<i64: 1, 32>}, {pipeline_mode = #tpu.pipeline_mode<synchronous>, transform_indices = @transform_6, window_bounds = array<i64: 32, 48>}, {pipeline_mode = #tpu.pipeline_mode<synchronous>, transform_indices = @transform_7, window_bounds = array<i64: 32, 48>}, {pipeline_mode = #tpu.pipeline_mode<synchronous>, transform_indices = @transform_8, window_bounds = array<i64: 32, 48>}, {pipeline_mode = #tpu.pipeline_mode<synchronous>, transform_indices = @transform_9, window_bounds = array<i64: 1, 48>}, {pipeline_mode = #tpu.pipeline_mode<synchronous>, transform_indices = @transform_10, window_bounds = array<i64: 48, 64>}, {pipeline_mode = #tpu.pipeline_mode<synchronous>, transform_indices = @transform_11, window_bounds = array<i64: 1, 64>}, {transform_indices = @transform_12, window_bounds = array<i64: 4096, 64>}]} {
    %get3A = arith.constant 0 : index
    %get3A_0 = arith.constant 0 : index
    %get3A_1 = arith.constant 0 : index
    %get3A_2 = vector.load %arg3[%get3A, %get3A_0, %get3A_1] : memref<1x1x4096xi32, #tpu.memory_space<vmem>>, vector<1x1x4096xi32>
    %reshape3A = vector.shape_cast %get3A_2 : vector<1x1x4096xi32> to vector<1x4096xi32>
    %transpose3A = tpu.transpose %reshape3A, [1, 0] : vector<1x4096xi32> -> vector<4096x1xi32>
    %and3A = arith.constant 3 : i32
    %and3A_3 = vector.broadcast %and3A : i32 to vector<4096x1xi32>
    %and3A_4 = arith.andi %transpose3A, %and3A_3 : vector<4096x1xi32>
    %shift_right_arithmetic3A = arith.constant 2 : i32
    %shift_right_arithmetic3A_5 = vector.broadcast %shift_right_arithmetic3A : i32 to vector<4096x1xi32>
    %shift_right_arithmetic3A_6 = arith.shrsi %transpose3A, %shift_right_arithmetic3A_5 : vector<4096x1xi32>
    %and3A_7 = arith.constant 1 : i32
    %and3A_8 = vector.broadcast %and3A_7 : i32 to vector<4096x1xi32>
    %and3A_9 = arith.andi %shift_right_arithmetic3A_6, %and3A_8 : vector<4096x1xi32>
    %shift_right_arithmetic3A_10 = arith.constant 3 : i32
    %shift_right_arithmetic3A_11 = vector.broadcast %shift_right_arithmetic3A_10 : i32 to vector<4096x1xi32>
    %shift_right_arithmetic3A_12 = arith.shrsi %transpose3A, %shift_right_arithmetic3A_11 : vector<4096x1xi32>
    %and3A_13 = arith.constant 3 : i32
    %and3A_14 = vector.broadcast %and3A_13 : i32 to vector<4096x1xi32>
    %and3A_15 = arith.andi %shift_right_arithmetic3A_12, %and3A_14 : vector<4096x1xi32>
    %broadcast_in_dim3A = arith.constant 0.000000e+00 : f32
    %broadcast_in_dim3A_16 = vector.broadcast %broadcast_in_dim3A : f32 to vector<4096x32xf32>
    %broadcast_in_dim3A_17 = arith.constant 0.000000e+00 : f32
    %broadcast_in_dim3A_18 = vector.broadcast %broadcast_in_dim3A_17 : f32 to vector<4096x32xf32>
    %eq3A = arith.constant 0 : i32
    %eq3A_19 = vector.broadcast %eq3A : i32 to vector<4096x1xi32>
    %eq3A_20 = arith.cmpi eq, %and3A_4, %eq3A_19 : vector<4096x1xi32>
    %get3A_21 = arith.constant 0 : index
    %get3A_22 = arith.constant 0 : index
    %get3A_23 = vector.load %arg1[%get3A_21, %get3A_22] : memref<4096x128xf32, #tpu.memory_space<vmem>>, vector<4096x32xf32>
    %broadcast_in_dim3A_24 = vector.shape_cast %eq3A_20 : vector<4096x1xi1> to vector<4096x1xi1>
    %broadcast_in_dim3A_25 = vector.broadcast %broadcast_in_dim3A_24 : vector<4096x1xi1> to vector<4096x32xi1>
    %select_n3A = arith.select %broadcast_in_dim3A_25, %get3A_23, %broadcast_in_dim3A_16 : vector<4096x32xi1>, vector<4096x32xf32>
    %eq3A_26 = arith.constant 0 : i32
    %eq3A_27 = vector.broadcast %eq3A_26 : i32 to vector<4096x1xi32>
    %eq3A_28 = arith.cmpi eq, %and3A_15, %eq3A_27 : vector<4096x1xi32>
    %get3A_29 = arith.constant 0 : index
    %get3A_30 = arith.constant 0 : index
    %get3A_31 = vector.load %arg2[%get3A_29, %get3A_30] : memref<4096x128xf32, #tpu.memory_space<vmem>>, vector<4096x32xf32>
    %broadcast_in_dim3A_32 = vector.shape_cast %eq3A_28 : vector<4096x1xi1> to vector<4096x1xi1>
    %broadcast_in_dim3A_33 = vector.broadcast %broadcast_in_dim3A_32 : vector<4096x1xi1> to vector<4096x32xi1>
    %select_n3A_34 = arith.select %broadcast_in_dim3A_33, %get3A_31, %broadcast_in_dim3A_18 : vector<4096x32xi1>, vector<4096x32xf32>
    %eq3A_35 = arith.constant 1 : i32
    %eq3A_36 = vector.broadcast %eq3A_35 : i32 to vector<4096x1xi32>
    %eq3A_37 = arith.cmpi eq, %and3A_4, %eq3A_36 : vector<4096x1xi32>
    %get3A_38 = arith.constant 0 : index
    %get3A_39 = arith.constant 32 : index
    %get3A_40 = vector.load %arg1[%get3A_38, %get3A_39] : memref<4096x128xf32, #tpu.memory_space<vmem>>, vector<4096x32xf32>
    %broadcast_in_dim3A_41 = vector.shape_cast %eq3A_37 : vector<4096x1xi1> to vector<4096x1xi1>
    %broadcast_in_dim3A_42 = vector.broadcast %broadcast_in_dim3A_41 : vector<4096x1xi1> to vector<4096x32xi1>
    %select_n3A_43 = arith.select %broadcast_in_dim3A_42, %get3A_40, %select_n3A : vector<4096x32xi1>, vector<4096x32xf32>
    %eq3A_44 = arith.constant 1 : i32
    %eq3A_45 = vector.broadcast %eq3A_44 : i32 to vector<4096x1xi32>
    %eq3A_46 = arith.cmpi eq, %and3A_15, %eq3A_45 : vector<4096x1xi32>
    %get3A_47 = arith.constant 0 : index
    %get3A_48 = arith.constant 32 : index
    %get3A_49 = vector.load %arg2[%get3A_47, %get3A_48] : memref<4096x128xf32, #tpu.memory_space<vmem>>, vector<4096x32xf32>
    %broadcast_in_dim3A_50 = vector.shape_cast %eq3A_46 : vector<4096x1xi1> to vector<4096x1xi1>
    %broadcast_in_dim3A_51 = vector.broadcast %broadcast_in_dim3A_50 : vector<4096x1xi1> to vector<4096x32xi1>
    %select_n3A_52 = arith.select %broadcast_in_dim3A_51, %get3A_49, %select_n3A_34 : vector<4096x32xi1>, vector<4096x32xf32>
    %eq3A_53 = arith.constant 2 : i32
    %eq3A_54 = vector.broadcast %eq3A_53 : i32 to vector<4096x1xi32>
    %eq3A_55 = arith.cmpi eq, %and3A_4, %eq3A_54 : vector<4096x1xi32>
    %get3A_56 = arith.constant 0 : index
    %get3A_57 = arith.constant 64 : index
    %get3A_58 = vector.load %arg1[%get3A_56, %get3A_57] : memref<4096x128xf32, #tpu.memory_space<vmem>>, vector<4096x32xf32>
    %broadcast_in_dim3A_59 = vector.shape_cast %eq3A_55 : vector<4096x1xi1> to vector<4096x1xi1>
    %broadcast_in_dim3A_60 = vector.broadcast %broadcast_in_dim3A_59 : vector<4096x1xi1> to vector<4096x32xi1>
    %select_n3A_61 = arith.select %broadcast_in_dim3A_60, %get3A_58, %select_n3A_43 : vector<4096x32xi1>, vector<4096x32xf32>
    %eq3A_62 = arith.constant 2 : i32
    %eq3A_63 = vector.broadcast %eq3A_62 : i32 to vector<4096x1xi32>
    %eq3A_64 = arith.cmpi eq, %and3A_15, %eq3A_63 : vector<4096x1xi32>
    %get3A_65 = arith.constant 0 : index
    %get3A_66 = arith.constant 64 : index
    %get3A_67 = vector.load %arg2[%get3A_65, %get3A_66] : memref<4096x128xf32, #tpu.memory_space<vmem>>, vector<4096x32xf32>
    %broadcast_in_dim3A_68 = vector.shape_cast %eq3A_64 : vector<4096x1xi1> to vector<4096x1xi1>
    %broadcast_in_dim3A_69 = vector.broadcast %broadcast_in_dim3A_68 : vector<4096x1xi1> to vector<4096x32xi1>
    %select_n3A_70 = arith.select %broadcast_in_dim3A_69, %get3A_67, %select_n3A_52 : vector<4096x32xi1>, vector<4096x32xf32>
    %eq3A_71 = arith.constant 3 : i32
    %eq3A_72 = vector.broadcast %eq3A_71 : i32 to vector<4096x1xi32>
    %eq3A_73 = arith.cmpi eq, %and3A_4, %eq3A_72 : vector<4096x1xi32>
    %get3A_74 = arith.constant 0 : index
    %get3A_75 = arith.constant 96 : index
    %get3A_76 = vector.load %arg1[%get3A_74, %get3A_75] : memref<4096x128xf32, #tpu.memory_space<vmem>>, vector<4096x32xf32>
    %broadcast_in_dim3A_77 = vector.shape_cast %eq3A_73 : vector<4096x1xi1> to vector<4096x1xi1>
    %broadcast_in_dim3A_78 = vector.broadcast %broadcast_in_dim3A_77 : vector<4096x1xi1> to vector<4096x32xi1>
    %select_n3A_79 = arith.select %broadcast_in_dim3A_78, %get3A_76, %select_n3A_61 : vector<4096x32xi1>, vector<4096x32xf32>
    %eq3A_80 = arith.constant 3 : i32
    %eq3A_81 = vector.broadcast %eq3A_80 : i32 to vector<4096x1xi32>
    %eq3A_82 = arith.cmpi eq, %and3A_15, %eq3A_81 : vector<4096x1xi32>
    %get3A_83 = arith.constant 0 : index
    %get3A_84 = arith.constant 96 : index
    %get3A_85 = vector.load %arg2[%get3A_83, %get3A_84] : memref<4096x128xf32, #tpu.memory_space<vmem>>, vector<4096x32xf32>
    %broadcast_in_dim3A_86 = vector.shape_cast %eq3A_82 : vector<4096x1xi1> to vector<4096x1xi1>
    %broadcast_in_dim3A_87 = vector.broadcast %broadcast_in_dim3A_86 : vector<4096x1xi1> to vector<4096x32xi1>
    %select_n3A_88 = arith.select %broadcast_in_dim3A_87, %get3A_85, %select_n3A_70 : vector<4096x32xi1>, vector<4096x32xf32>
    %bitcast3A = tpu.bitcast %select_n3A_79 : vector<4096x32xf32> -> vector<4096x32xi32>
    %shift_left3A = arith.constant 16 : i32
    %shift_left3A_89 = vector.broadcast %shift_left3A : i32 to vector<4096x32xi32>
    %shift_left3A_90 = arith.shli %bitcast3A, %shift_left3A_89 : vector<4096x32xi32>
    %bitcast3A_91 = tpu.bitcast %shift_left3A_90 : vector<4096x32xi32> -> vector<4096x32xf32>
    %and3A_92 = arith.constant -65536 : i32
    %and3A_93 = vector.broadcast %and3A_92 : i32 to vector<4096x32xi32>
    %and3A_94 = arith.andi %bitcast3A, %and3A_93 : vector<4096x32xi32>
    %bitcast3A_95 = tpu.bitcast %and3A_94 : vector<4096x32xi32> -> vector<4096x32xf32>
    %eq3A_96 = arith.constant 1 : i32
    %eq3A_97 = vector.broadcast %eq3A_96 : i32 to vector<4096x1xi32>
    %eq3A_98 = arith.cmpi eq, %and3A_9, %eq3A_97 : vector<4096x1xi32>
    %broadcast_in_dim3A_99 = vector.shape_cast %eq3A_98 : vector<4096x1xi1> to vector<4096x1xi1>
    %broadcast_in_dim3A_100 = vector.broadcast %broadcast_in_dim3A_99 : vector<4096x1xi1> to vector<4096x32xi1>
    %select_n3A_101 = arith.select %broadcast_in_dim3A_100, %bitcast3A_95, %bitcast3A_91 : vector<4096x32xi1>, vector<4096x32xf32>
    %convert_element_type3A = arith.truncf %select_n3A_101 : vector<4096x32xf32> to vector<4096x32xbf16>
    %convert_element_type3A_102 = arith.truncf %select_n3A_88 : vector<4096x32xf32> to vector<4096x32xbf16>
    %get3A_103 = arith.constant 0 : index
    %get3A_104 = arith.constant 0 : index
    %get3A_105 = arith.constant 0 : index
    %get3A_106 = vector.load %arg4[%get3A_103, %get3A_104, %get3A_105] : memref<1x1x4096xf32, #tpu.memory_space<vmem>>, vector<1x1x4096xf32>
    %reshape3A_107 = vector.shape_cast %get3A_106 : vector<1x1x4096xf32> to vector<1x4096xf32>
    %transpose3A_108 = tpu.transpose %reshape3A_107, [1, 0] : vector<1x4096xf32> -> vector<4096x1xf32>
    %get3A_109 = arith.constant 0 : index
    %get3A_110 = arith.constant 0 : index
    %get3A_111 = vector.load %arg5[%get3A_109, %get3A_110] : memref<1x32xf32, #tpu.memory_space<vmem>>, vector<1x32xf32>
    %mul3A = vector.broadcast %transpose3A_108 : vector<4096x1xf32> to vector<4096x32xf32>
    %mul3A_112 = vector.broadcast %get3A_111 : vector<1x32xf32> to vector<4096x32xf32>
    %mul3A_113 = arith.mulf %mul3A, %mul3A_112 : vector<4096x32xf32>
    %get3A_114 = arith.constant 0 : index
    %get3A_115 = arith.constant 0 : index
    %get3A_116 = vector.load %arg6[%get3A_114, %get3A_115] : memref<1x32xf32, #tpu.memory_space<vmem>>, vector<1x32xf32>
    %add3A = vector.broadcast %get3A_116 : vector<1x32xf32> to vector<4096x32xf32>
    %add3A_117 = arith.addf %mul3A_113, %add3A : vector<4096x32xf32>
    %convert_element_type3A_118 = arith.truncf %add3A_117 : vector<4096x32xf32> to vector<4096x32xbf16>
    %get3A_119 = arith.constant 0 : index
    %get3A_120 = arith.constant 0 : index
    %get3A_121 = vector.load %arg7[%get3A_119, %get3A_120] : memref<32x48xbf16, #tpu.memory_space<vmem>>, vector<32x48xbf16>
    %dot_general3A = arith.constant dense<0.000000e+00> : vector<4096x48xf32>
    %dot_general3A_122 = tpu.matmul %convert_element_type3A, %get3A_121, %dot_general3A {dimension_numbers = #tpu.dot_dimension_numbers<[1], [0], [0], [1], [0, 0, 1, 1], [], []>, transpose_lhs_hint = false} : vector<4096x32xbf16>, vector<32x48xbf16>, vector<4096x48xf32> -> vector<4096x48xf32>
    %get3A_123 = arith.constant 0 : index
    %get3A_124 = arith.constant 0 : index
    %get3A_125 = vector.load %arg8[%get3A_123, %get3A_124] : memref<32x48xbf16, #tpu.memory_space<vmem>>, vector<32x48xbf16>
    %dot_general3A_126 = arith.constant dense<0.000000e+00> : vector<4096x48xf32>
    %dot_general3A_127 = tpu.matmul %convert_element_type3A_102, %get3A_125, %dot_general3A_126 {dimension_numbers = #tpu.dot_dimension_numbers<[1], [0], [0], [1], [0, 0, 1, 1], [], []>, transpose_lhs_hint = false} : vector<4096x32xbf16>, vector<32x48xbf16>, vector<4096x48xf32> -> vector<4096x48xf32>
    %add3A_128 = arith.addf %dot_general3A_122, %dot_general3A_127 : vector<4096x48xf32>
    %get3A_129 = arith.constant 0 : index
    %get3A_130 = arith.constant 0 : index
    %get3A_131 = vector.load %arg9[%get3A_129, %get3A_130] : memref<32x48xbf16, #tpu.memory_space<vmem>>, vector<32x48xbf16>
    %dot_general3A_132 = arith.constant dense<0.000000e+00> : vector<4096x48xf32>
    %dot_general3A_133 = tpu.matmul %convert_element_type3A_118, %get3A_131, %dot_general3A_132 {dimension_numbers = #tpu.dot_dimension_numbers<[1], [0], [0], [1], [0, 0, 1, 1], [], []>, transpose_lhs_hint = false} : vector<4096x32xbf16>, vector<32x48xbf16>, vector<4096x48xf32> -> vector<4096x48xf32>
    %add3A_134 = arith.addf %add3A_128, %dot_general3A_133 : vector<4096x48xf32>
    %get3A_135 = arith.constant 0 : index
    %get3A_136 = arith.constant 0 : index
    %get3A_137 = vector.load %arg10[%get3A_135, %get3A_136] : memref<1x48xf32, #tpu.memory_space<vmem>>, vector<1x48xf32>
    %add3A_138 = vector.broadcast %get3A_137 : vector<1x48xf32> to vector<4096x48xf32>
    %add3A_139 = arith.addf %add3A_134, %add3A_138 : vector<4096x48xf32>
    %max3A = arith.constant 0.000000e+00 : f32
    %max3A_140 = vector.broadcast %max3A : f32 to vector<4096x48xf32>
    %max3A_141 = arith.maximumf %add3A_139, %max3A_140 : vector<4096x48xf32>
    %convert_element_type3A_142 = arith.truncf %max3A_141 : vector<4096x48xf32> to vector<4096x48xbf16>
    %get3A_143 = arith.constant 0 : index
    %get3A_144 = arith.constant 0 : index
    %get3A_145 = vector.load %arg11[%get3A_143, %get3A_144] : memref<48x64xbf16, #tpu.memory_space<vmem>>, vector<48x64xbf16>
    %dot_general3A_146 = arith.constant dense<0.000000e+00> : vector<4096x64xf32>
    %dot_general3A_147 = tpu.matmul %convert_element_type3A_142, %get3A_145, %dot_general3A_146 {dimension_numbers = #tpu.dot_dimension_numbers<[1], [0], [0], [1], [0, 0, 1, 1], [], []>, transpose_lhs_hint = false} : vector<4096x48xbf16>, vector<48x64xbf16>, vector<4096x64xf32> -> vector<4096x64xf32>
    %get3A_148 = arith.constant 0 : index
    %get3A_149 = arith.constant 0 : index
    %get3A_150 = vector.load %arg12[%get3A_148, %get3A_149] : memref<1x64xf32, #tpu.memory_space<vmem>>, vector<1x64xf32>
    %add3A_151 = vector.broadcast %get3A_150 : vector<1x64xf32> to vector<4096x64xf32>
    %add3A_152 = arith.addf %dot_general3A_147, %add3A_151 : vector<4096x64xf32>
    %swap3A = arith.constant 0 : index
    %swap3A_153 = arith.constant 0 : index
    %swap3A_154 = vector.load %arg13[%swap3A, %swap3A_153] : memref<4096x64xf32, #tpu.memory_space<vmem>>, vector<4096x64xf32>
    tpu.vector_store %arg13[%swap3A, %swap3A_153], %add3A_152 {strides = array<i32>} : memref<4096x64xf32, #tpu.memory_space<vmem>>, vector<4096x64xf32>,
    return
  }
  func.func @transform_0(%arg0: i32) -> (i32, i32) {
    %c0_i32 = arith.constant 0 : i32
    %c0_i32_0 = arith.constant 0 : i32
    return %arg0, %c0_i32 : i32, i32
  }
  func.func @transform_1(%arg0: i32) -> (i32, i32) {
    %c0_i32 = arith.constant 0 : i32
    %c0_i32_0 = arith.constant 0 : i32
    return %arg0, %c0_i32 : i32, i32
  }
  func.func @transform_2(%arg0: i32) -> (i32, i32, i32) {
    %c0_i32 = arith.constant 0 : i32
    %c0_i32_0 = arith.constant 0 : i32
    %c0_i32_1 = arith.constant 0 : i32
    return %arg0, %c0_i32, %c0_i32_0 : i32, i32, i32
  }
  func.func @transform_3(%arg0: i32) -> (i32, i32, i32) {
    %c0_i32 = arith.constant 0 : i32
    %c0_i32_0 = arith.constant 0 : i32
    %c0_i32_1 = arith.constant 0 : i32
    return %arg0, %c0_i32, %c0_i32_0 : i32, i32, i32
  }
  func.func @transform_4(%arg0: i32) -> (i32, i32) {
    %c0_i32 = arith.constant 0 : i32
    %c0_i32_0 = arith.constant 0 : i32
    %c0_i32_1 = arith.constant 0 : i32
    return %c0_i32, %c0_i32_0 : i32, i32
  }
  func.func @transform_5(%arg0: i32) -> (i32, i32) {
    %c0_i32 = arith.constant 0 : i32
    %c0_i32_0 = arith.constant 0 : i32
    %c0_i32_1 = arith.constant 0 : i32
    return %c0_i32, %c0_i32_0 : i32, i32
  }
  func.func @transform_6(%arg0: i32) -> (i32, i32) {
    %c0_i32 = arith.constant 0 : i32
    %c0_i32_0 = arith.constant 0 : i32
    %c0_i32_1 = arith.constant 0 : i32
    return %c0_i32, %c0_i32_0 : i32, i32
  }
  func.func @transform_7(%arg0: i32) -> (i32, i32) {
    %c0_i32 = arith.constant 0 : i32
    %c0_i32_0 = arith.constant 0 : i32
    %c0_i32_1 = arith.constant 0 : i32
    return %c0_i32, %c0_i32_0 : i32, i32
  }
  func.func @transform_8(%arg0: i32) -> (i32, i32) {
    %c0_i32 = arith.constant 0 : i32
    %c0_i32_0 = arith.constant 0 : i32
    %c0_i32_1 = arith.constant 0 : i32
    return %c0_i32, %c0_i32_0 : i32, i32
  }
  func.func @transform_9(%arg0: i32) -> (i32, i32) {
    %c0_i32 = arith.constant 0 : i32
    %c0_i32_0 = arith.constant 0 : i32
    %c0_i32_1 = arith.constant 0 : i32
    return %c0_i32, %c0_i32_0 : i32, i32
  }
  func.func @transform_10(%arg0: i32) -> (i32, i32) {
    %c0_i32 = arith.constant 0 : i32
    %c0_i32_0 = arith.constant 0 : i32
    %c0_i32_1 = arith.constant 0 : i32
    return %c0_i32, %c0_i32_0 : i32, i32
  }
  func.func @transform_11(%arg0: i32) -> (i32, i32) {
    %c0_i32 = arith.constant 0 : i32
    %c0_i32_0 = arith.constant 0 : i32
    %c0_i32_1 = arith.constant 0 : i32
    return %c0_i32, %c0_i32_0 : i32, i32
  }
  func.func @transform_12(%arg0: i32) -> (i32, i32) {
    %c0_i32 = arith.constant 0 : i32
    %c0_i32_0 = arith.constant 0 : i32
    return %arg0, %c0_i32 : i32, i32
  }
}

</mosaic_0001>

<sc_bundles>
// kernel: kernel.5.cloned.1.call-start
scs
__scs_entry_jumppad:
0x0: {  	(pc) =	sbr.rel $0x88, $3  }
0x1: {  	(tag) =	ssettag $0x0;
	lr =	simm.s32 $0x1  }
0x2: {  	[smem:$0x3F96] =	sst lr;
	_ =	strace $0xD0000000  }
0x3: {  	_ = 	snop  }
0x4: {  	_ = 	snop  }
0x5: {  	_ = 	snop  }
0x6: {  	_ = 	snop  }
0x7: {  	_ = 	snop  }
__scs_overlays_trampoline_lowered:
0x8: {  	[smem:$0x3FA5] =	sst s0  }
0x9: {  	[smem:$0x3FA6] =	sst s1  }
0xa: {  	[smem:$0x3FA7] =	sst s2  }
0xb: {  	[smem:$0x3FA8] =	sst s3  }
0xc: {  	[smem:$0x3FA9] =	sst s4  }
0xd: {  	[smem:$0x3FAA] =	sst s5  }
0xe: {  	[smem:$0x3FAB] =	sst s6  }
0xf: {  	[smem:$0x3FAC] =	sst s7  }
0x10: {  	[smem:$0x3FAD] =	sst s8  }
0x11: {  	[smem:$0x3FAE] =	sst s9;
	s0 =	simm.s32 @!p0 $0x0  }
0x12: {  	s1 =	sld [smem:$0x3F94];
	s0 =	simm.s32 @p0 $0x1  }
0x13: {  	[smem:$0x3FAF] =	sst s0;
	s0 =	simm.s32 @!p1 $0x0  }
0x14: {  	s2 =	sld [smem:$0x3F93];
	s0 =	simm.s32 @p1 $0x1  }
0x15: {  	[smem:$0x3FB0] =	sst s0;
	s0 =	simm.s32 @!p2 $0x0  }
0x16: {  	s3 =	sld [smem:$0x3FDB];
	s0 =	simm.s32 @p2 $0x1  }
0x17: {  	s4 =	simm.s32 $0x1BF5;
	[smem:$0x3FB2] =	sst s0  }
0x18: {  	s0 =	sld [smem:$0x3F95];
	_ =	swait.ge [sflag:s4], $0x0  }
0x19: {  	s7 =	sld [smem:$0x3F96]  }
0x1a: {  	s8 =	sadd.s32 $0xFFFFE003, lr  }
0x1b: {  	s9 =	sadd.s32 $0xFFFFFEF7, lr;
	s5 =	simm.s32 $0xFFFFFFFF;
	p2 =	slt.u32 s8, $0xFFFFF086  }
0x1c: {  	p1 =	slt.u32 s9, $0xF7A;
	s5 =	simm.s32 @!p2 $0x0  }
0x1d: {  	s5 =	simm.s32 @p1 $0x1;
	p0 =	seq.s32 s7, s2  }
0x1e: {  	s7 =	smul.u32 @!p0 $0xF7A, s2;
	p2 =	seq.s32 @!p0 s5, $0x0  }
0x1f: {  	s9 =	smul.u32 $0xF7A, s1;
	s8 =	simm.s32 @!p0 $0x1BF5;
	p2 =	por !p2, p0  }
0x20: {  	[sflag:s8] =	ssyncset.s32 @!p0 $0xFFFFF086;
	s6 =	sadd.s32 @!p0 s3, s7;
	s7 =	simm.s32 @!p0 $0x108  }
0x21: {  	s3 =	sadd.s32 s3, s9;
	s6 =	sadd.s32 @!p0 $0x88, s6;
	s7 =	simm.s32 @p2 $0x1082  }
0x22: {  	[simem:s7], [sflag:s8] =	dma.local @!p0 [hbm:s6], $0xF7A  }
0x23: {  	s9 =	sor.u32 $0xD0000000, s2;
	s6 =	simm.s32 $0x108;
	_ =	swait.ge @!p0 [sflag:s8], $0x0  }
0x24: {  	s3 =	sadd.s32 $0x88, s3;
	s6 =	simm.s32 @!p1 $0x1082;
	[sflag:s4] =	ssyncset.s32 $0xFFFFF086  }
0x25: {  	[simem:s6], [sflag:s4] =	dma.local [hbm:s3], $0xF7A  }
0x26: {  	[smem:$0x3F96] =	sst s1;
	(tag) =	ssettag s2;
	_ =	strace s9  }
0x27: {  	s1 =	sld [smem:$0x3FA6]  }
0x28: {  	s2 =	sld [smem:$0x3FA7]  }
0x29: {  	s4 =	sld [smem:$0x3FA9]  }
0x2a: {  	p0 =	seq.s32 s5, $0x0;
	s5 =	sld [smem:$0x3FAA]  }
0x2b: {  	s6 =	sld [smem:$0x3FAB]  }
0x2c: {  	s7 =	sld [smem:$0x3FAC]  }
0x2d: {  	s3 =	simm.s32 $0x108;
	s8 =	sld [smem:$0x3FAD]  }
0x2e: {  	s3 =	simm.s32 @!p0 $0x1082;
	s9 =	sld [smem:$0x3FAE]  }
0x2f: {  	lr =	sadd.s32 s0, s3;
	s0 =	sld [smem:$0x3FA5]  }
0x30: {  	s3 =	sld [smem:$0x3FA8]  }
0x31: {  	[smem:$0x3FB1] =	sst s10  }
0x32: {  	s10 =	sld [smem:$0x3FAF];
	_ =	sdelay $0x3  }
0x33: {  	p0 =	seq.s32 s10, $0x1;
	s10 =	sld [smem:$0x3FB1];
	_ =	sdelay $0x3  }
0x34: {  	[smem:$0x3FB1] =	sst s10  }
0x35: {  	s10 =	sld [smem:$0x3FB0];
	_ =	sdelay $0x3  }
0x36: {  	p1 =	seq.s32 s10, $0x1;
	s10 =	sld [smem:$0x3FB1];
	_ =	sdelay $0x3  }
0x37: {  	[smem:$0x3FB1] =	sst s10  }
0x38: {  	s10 =	sld [smem:$0x3FB2]  }
0x39: {  	_ = 	snop;
	(pc) =	sbr.ind lr, $3  }
0x3a: {  	_ = 	snop  }
0x3b: {  	_ = 	snop  }
0x3c: {  	p2 =	seq.s32 s10, $0x1;
	s10 =	sld [smem:$0x3FB1]  }
0x3d: {  	_ =	shalt  }
0x3e: {  	_ =	shalt  }
0x3f: {  	_ =	shalt  }
0x40: {  	_ =	shalt  }
0x41: {  	_ =	shalt  }
0x42: {  	_ =	shalt  }
0x43: {  	_ =	shalt  }
0x44: {  	_ =	shalt  }
0x45: {  	_ =	shalt  }
0x46: {  	_ =	shalt  }
0x47: {  	_ =	shalt  }
0x48: {  	_ =	shalt  }
0x49: {  	_ =	shalt  }
0x4a: {  	_ =	shalt  }
0x4b: {  	_ =	shalt  }
0x4c: {  	_ =	shalt  }
0x4d: {  	_ =	shalt  }
0x4e: {  	_ =	shalt  }
0x4f: {  	_ =	shalt  }
0x50: {  	_ =	shalt  }
0x51: {  	_ =	shalt  }
0x52: {  	_ =	shalt  }
0x53: {  	_ =	shalt  }
0x54: {  	_ =	shalt  }
0x55: {  	_ =	shalt  }
0x56: {  	_ =	shalt  }
0x57: {  	_ =	shalt  }
0x58: {  	_ =	shalt  }
0x59: {  	_ =	shalt  }
0x5a: {  	_ =	shalt  }
0x5b: {  	_ =	shalt  }
0x5c: {  	_ =	shalt  }
0x5d: {  	_ =	shalt  }
0x5e: {  	_ =	shalt  }
0x5f: {  	_ =	shalt  }
0x60: {  	_ =	shalt  }
0x61: {  	_ =	shalt  }
0x62: {  	_ =	shalt  }
0x63: {  	_ =	shalt  }
0x64: {  	_ =	shalt  }
0x65: {  	_ =	shalt  }
0x66: {  	_ =	shalt  }
0x67: {  	_ =	shalt  }
0x68: {  	_ =	shalt  }
0x69: {  	_ =	shalt  }
0x6a: {  	_ =	shalt  }
0x6b: {  	_ =	shalt  }
0x6c: {  	_ =	shalt  }
0x6d: {  	_ =	shalt  }
0x6e: {  	_ =	shalt  }
0x6f: {  	_ =	shalt  }
0x70: {  	_ =	shalt  }
0x71: {  	_ =	shalt  }
0x72: {  	_ =	shalt  }
0x73: {  	_ =	shalt  }
0x74: {  	_ =	shalt  }
0x75: {  	_ =	shalt  }
0x76: {  	_ =	shalt  }
0x77: {  	_ =	shalt  }
0x78: {  	_ =	shalt  }
0x79: {  	_ =	shalt  }
0x7a: {  	_ =	shalt  }
0x7b: {  	_ =	shalt  }
0x7c: {  	_ =	shalt  }
0x7d: {  	_ =	shalt  }
0x7e: {  	_ =	shalt  }
0x7f: {  	_ =	shalt  }
0x80: {  	_ =	shalt  }
0x81: {  	_ =	shalt  }
0x82: {  	_ =	shalt  }
0x83: {  	_ =	shalt  }
0x84: {  	_ =	shalt  }
0x85: {  	_ =	shalt  }
0x86: {  	_ =	shalt  }
0x87: {  	_ =	shalt  }
.Lfunc_end0:
.L_simem_size_0:
called_computation_lowered:
.L_overlay_start_0:
0x88: {  	s2 =	sld [smem:$0x3FD9]  }
0x89: {  	s3 =	sld [smem:$0x3FFE];
	_ =	sdelay $0x1  }
0x8a: {  	s1 =	srdreg.scid  }
0x8b: {  	s0 =	sand.u32 $0x1, s1  }
0x8c: {  	s17 =	sshll.u32 s0, $0xA;
	s2 =	sadd.s32 s3, s2  }
0x8d: {  	s2 =	sadd.s32 s2, s17  }
0x8e: {  	[smem:$0x3FBD] =	sst s2  }
0x8f: {  	_ = 	snop  }
0x90: {  	s2 =	sld [smem:$0x3FC9]  }
0x91: {  	s18 =	sld [smem:$0x3FC8]  }
0x92: {  	s4 =	sld [smem:$0x3FD0];
	(tm) =	ssettm $0x1  }
0x93: {  	s5 =	sld [smem:$0x3FFB];
	_ =	sdelay $0x3  }
0x94: {  	_ =	strace s5  }
0x95: {  	s5 =	sld [smem:$0x3FFC];
	_ =	sdelay $0x3  }
0x96: {  	_ =	strace s5  }
0x97: {  	s5 =	sld [smem:$0x3FFD];
	_ =	sdelay $0x3  }
0x98: {  	_ =	strace s5  }
0x99: {  	_ =	strace $0x8FFFFFFF  }
0x9a: {  	s19 =	sld [smem:$0x3FDB];
	_ =	sdelay $0x1  }
0x9b: {  	s6 =	simm.s32 $_scs_section_size  }
0x9c: {  	s7 =	simm.s32 $_size__tile_overlayer_lowered;
	s8 =	simm.s32 $_tile_overlayer_lowered  }
0x9d: {  	s22 =	simm.s32 $0x1BFF;
	s21 =	sshll.u32 s8, $0x1;
	s5 =	sadd.s32 s6, s19  }
0x9e: {  	s9 =	simm.s32 $0x0;
	s20 =	sshll.u32 s7, $0x1;
	s7 =	sadd.s32 s21, s5  }
0x9f: {  	[timem:s9], [sflag:s22] =	dma.local [hbm:s7], s20  }
0xa0: {  	_ =	swait.ge [sflag:s22], s20  }
0xa1: {  	s6 =	ssub.s32 $0x0, s20;
	[sflag:s22] =	ssyncset.done $0x0  }
0xa2: {  	[sflag:s22] =	ssyncadd.s32 s6;
	_ =	sdelay $0x1  }
0xa3: {  	s23 =	simm.s32 $0x1B8B  }
0xa4: {  	_ =	swait.ge [sflag:s23], $0x1  }
0xa5: {  	[sflag:s23] =	ssyncset.done $0x0  }
0xa6: {  	s25 =	simm.s32 $0x1B8E;
	s24 =	sld [smem:$0x3FFE];
	[sflag:s23] =	ssyncadd.s32 $0xFFFFFFFF  }
0xa7: {  	s26 =	simm.s32 $execute0_lowered;
	[smem:$0x3FD2] =	sst s25  }
0xa8: {  	s7 =	sshll.u32 s26, $0x1;
	_ =	strace $0x80000046;
	[dreg:$0x1] =	wrdreg $0xFFFFFFFF  }
0xa9: {  	s28 =	simm.s32 $_size_execute0_lowered;
	s5 =	sadd.s32 s5, s7;
	[dreg:$0x0] =	wrdreg $0x0  }
0xaa: {  	s7 =	sshll.u32 s28, $0x1;
	[dreg:$0x2] =	wrdreg s5  }
0xab: {  	[dreg:$0x3] =	wrdreg s7  }
0xac: {  	[dreg:$0x4] =	wrdreg $0xC0  }
0xad: {  	_ =	task [dreg:s9], $0x5FFFF  }
0xae: {  	[dreg:$0x1] =	wrdreg $0xFFFFFFFF  }
0xaf: {  	[dreg:$0x0] =	wrdreg $0x60  }
0xb0: {  	[dreg:$0x2] =	wrdreg s2  }
0xb1: {  	[dreg:$0x3] =	wrdreg s18  }
0xb2: {  	[dreg:$0x4] =	wrdreg s24  }
0xb3: {  	[dreg:$0x5] =	wrdreg s4  }
0xb4: {  	[dreg:$0x6] =	wrdreg $0x9  }
0xb5: {  	_ =	task.clear_ibuf [dreg:s9], $0x7FFFF;
	_ =	strace $0x90000046  }
0xb6: {  	s29 =	simm.s32 $0x9;
	_ =	strace $0x80000048  }
0xb7: {  	_ =	swait.ge [sflag:s29], $0x1  }
0xb8: {  	[sflag:s29] =	ssyncadd.s32 $0xFFFFFFFF  }
0xb9: {  	_ =	strace $0x90000048  }
0xba: {  	_ =	sfence  }
0xbb: {  	s30 =	sld [smem:$0x0];
	_ =	sdelay $0x2  }
0xbc: {  	s31 =	sshll.u32 s1, $0xD;
	s1 =	sshrl.u32 s1, $0x2  }
0xbd: {  	s3 =	sand.u32 $0x4000, s31;
	s1 =	sadd.s32 s1, s30  }
0xbe: {  	s0 =	sor.u32 s3, s0;
	s1 =	sshll.u32 s1, $0x11  }
0xbf: {  	s0 =	sor.u32 s1, s0  }
0xc0: {  	s0 =	sadd.s32 $0x8F2B, s0  }
0xc1: {  	[sflag:s0] =	ssyncadd.remote.s32 $0x1  }
0xc2: {  	_ =	sfence.sel $0xFFFF  }
0xc3: {  	[dreg:$0x0] =	wrdreg $0xFFFFFFFF;
	(pc) =	sbr.abs _section_cstart, $3  }
0xc4: {  	[dreg:$0x1] =	wrdreg $0xFFFFFFFF  }
0xc5: {  	_ =	task.clear_ibuf [dreg:s9], $0x2FFFF;
	_ =	strace $0x9FFFFFFF  }
0xc6: {  	(tm) =	ssettm $0x7FFFFFFF  }
0xc7: {  	_ =	shalt  }
tec
execute0_lowered:
.L_overlay_start_1:
0x0: {  	(tag) =	ssettag $0x1  }
0x1: {  	s5 =	rddreg [dreg:$0x0]  }
0x2: {  	s6 =	rddreg [dreg:$0x1]  }
0x3: {  	s7 =	rddreg [dreg:$0x2]  }
0x4: {  	s1 =	rddreg [dreg:$0x3]  }
0x5: {  	s0 =	rddreg [dreg:$0x4];
	s3 =	simm.s32 $0x0;
	s4 =	srdreg.scid  }
0x6: {  	s2 =	stileid.u32;
	s12 =	simm.s32 $0x200;
	s13 =	simm.s32 $0x400  }
0x7: {  	s14 =	simm.s32 $0x800;
	s15 =	simm.s32 $0x100;
	s16 =	simm.s32 $0x600  }
0x8: {  	s17 =	simm.s32 $0x10800;
	s18 =	simm.s32 $0x2;
	s19 =	simm.s32 $0x700  }
0x9: {  	s20 =	simm.s32 $0x1;
	[smem:$0x7FF] =	sst s3;
	s8 =	sand.u32 $0x1, s4  }
0xa: {  	s9 =	sshll.u32 s2, $0xA;
	s4 =	sadd.s32 $0x2000, s7;
	s10 =	sshll.u32 s8, $0x9  }
0xb: {  	_ =	strace $0x80000047;
	s8 =	ssub.s32 $0x2, s8;
	s9 =	sor.u32 s10, s9  }
0xc: {  	s11 =	sshrl.u32 s8, $0x1;
	s10 =	sshll.u32 s9, $0x4;
	s9 =	sshrl.u32 s9, $0x3  }
0xd: {  	s11 =	ssub.s32 s8, s11;
	s10 =	sadd.s32 s10, s7;
	s5 =	sadd.s32 s5, s9  }
0xe: {  	s6 =	sadd.s32 s6, s9;
	s7 =	sadd.s32 $0x232000, s10;
	s8 =	sadd.s32 $0x233000, s10  }
0xf: {  	s9 =	sadd.s32 $0x1F2000, s10;
	s10 =	smax.u32 s11, $0x1;
	s11 =	simm.s32 $0x3  }
.LBB2_1:
0x10: {  	[tilespmem:s3], [sflag:$0x3] =	stream.linear.gather [hbm4b:s5+s3], $0x200, $0x38;
	[tilespmem:$0x18800] =	vst v63  }
0x11: {  	_ =	swait.ge [sflag:s11], $0x200  }
0x12: {  	[sflag:s11] =	ssyncset.done $0x0  }
0x13: {  	[sflag:s11] =	ssyncadd.s32 $0xFFFFFE00  }
0x14: {  	[tilespmem:s12], [sflag:$0x3] =	stream.linear.gather [hbm4b:s6+s3], $0x200, $0x38;
	[tilespmem:$0x18800] =	vst v63  }
0x15: {  	_ =	swait.ge [sflag:s11], $0x200  }
0x16: {  	[sflag:s11] =	ssyncset.done $0x0  }
0x17: {  	[sflag:s11] =	ssyncadd.s32 $0xFFFFFE00  }
0x18: {  	v0 =	vld [tilespmem:$0x0]  }
0x19: {  	v1 =	vld [tilespmem:$0x10]  }
0x1a: {  	v2 =	vld [tilespmem:$0x200]  }
0x1b: {  	v3 =	vld [tilespmem:$0x20]  }
0x1c: {  	v5 =	vld [tilespmem:$0x210]  }
0x1d: {  	v6 =	vld [tilespmem:$0x30]  }
0x1e: {  	v7 =	vld [tilespmem:$0x220]  }
0x1f: {  	v51 =	vld [tilespmem:$0x40]  }
0x20: {  	v55 =	vld [tilespmem:$0x230]  }
0x21: {  	v57 =	vld [tilespmem:$0x50]  }
0x22: {  	v61 =	vld [tilespmem:$0x240]  }
0x23: {  	v63 =	vld [tilespmem:$0x60]  }
0x24: {  	v12 =	vld [tilespmem:$0x250]  }
0x25: {  	v14 =	vld [tilespmem:$0x70]  }
0x26: {  	v18 =	vld [tilespmem:$0x260]  }
0x27: {  	v20 =	vld [tilespmem:$0x80];
	v4 =	vshra.s32 v0, $0x3;
	v0 =	vshrl.u32 v0, $0x1  }
0x28: {  	v24 =	vld [tilespmem:$0x270];
	v48 =	vshra.s32 v1, $0x3;
	v1 =	vshrl.u32 v1, $0x1;
	v49 =	vshra.s32 v2, $0x2  }
0x29: {  	v26 =	vld [tilespmem:$0x90];
	v53 =	vshra.s32 v3, $0x3;
	v54 =	vshrl.u32 v3, $0x1;
	v56 =	vshra.s32 v5, $0x2;
	[tilespmem:$0x600] =	vst v49  }
0x2a: {  	v30 =	vld [tilespmem:$0x280];
	v59 =	vshra.s32 v6, $0x3;
	v60 =	vshrl.u32 v6, $0x1;
	v62 =	vshra.s32 v7, $0x2;
	[tilespmem:$0x610] =	vst v56  }
0x2b: {  	v32 =	vld [tilespmem:$0xA0];
	v10 =	vshra.s32 v51, $0x3;
	v11 =	vshrl.u32 v51, $0x1;
	v13 =	vshra.s32 v55, $0x2;
	[tilespmem:$0x620] =	vst v62  }
0x2c: {  	v42 =	vld [tilespmem:$0x2A0];
	v16 =	vshra.s32 v57, $0x3;
	v17 =	vshrl.u32 v57, $0x1;
	v19 =	vshra.s32 v61, $0x2;
	[tilespmem:$0x630] =	vst v13  }
0x2d: {  	v36 =	vld [tilespmem:$0x290];
	v22 =	vshra.s32 v63, $0x3;
	v23 =	vshrl.u32 v63, $0x1;
	v25 =	vshra.s32 v12, $0x2;
	[tilespmem:$0x640] =	vst v19  }
0x2e: {  	v28 =	vshra.s32 v14, $0x3;
	v29 =	vshrl.u32 v14, $0x1;
	v31 =	vshra.s32 v18, $0x2;
	[tilespmem:$0x650] =	vst v25  }
0x2f: {  	v34 =	vshra.s32 v20, $0x3;
	v35 =	vshrl.u32 v20, $0x1;
	v37 =	vshra.s32 v24, $0x2;
	[tilespmem:$0x660] =	vst v31  }
0x30: {  	v40 =	vshra.s32 v26, $0x3;
	v41 =	vshrl.u32 v26, $0x1;
	v43 =	vshra.s32 v30, $0x2;
	[tilespmem:$0x670] =	vst v37  }
0x31: {  	v38 =	vld [tilespmem:$0xB0];
	v46 =	vshra.s32 v32, $0x3;
	v47 =	vshrl.u32 v32, $0x1;
	v55 =	vshra.s32 v42, $0x2;
	[tilespmem:$0x680] =	vst v43  }
0x32: {  	v44 =	vld [tilespmem:$0xC0];
	v4 =	vand.u32 $0xFFFFF000, v4;
	v0 =	vand.u32 $0xFFF, v0;
	v49 =	vshra.s32 v36, $0x2;
	[tilespmem:$0x6A0] =	vst v55  }
0x33: {  	v50 =	vand.u32 $0xFFFFF000, v48;
	v1 =	vand.u32 $0xFFF, v1;
	v48 =	vld [tilespmem:$0x2B0];
	v0 =	vor.u32 v0, v4;
	[tilespmem:$0x690] =	vst v49  }
0x34: {  	v2 =	vand.u32 $0xFFF, v54;
	v54 =	vld [tilespmem:$0x2C0];
	v52 =	vor.u32 v1, v50;
	v1 =	vand.u32 $0xFFFFF000, v53;
	[tilespmem:$0x400] =	vst v0  }
0x35: {  	v56 =	vld [tilespmem:$0xE0];
	[tilespmem:$0x410] =	vst v52;
	v58 =	vor.u32 v2, v1;
	v1 =	vand.u32 $0xFFFFF000, v59;
	v2 =	vand.u32 $0xFFF, v60  }
0x36: {  	v62 =	vld [tilespmem:$0xF0];
	[tilespmem:$0x420] =	vst v58;
	v9 =	vor.u32 v2, v1;
	v1 =	vand.u32 $0xFFFFF000, v10;
	v2 =	vand.u32 $0xFFF, v11  }
0x37: {  	v13 =	vld [tilespmem:$0x100];
	[tilespmem:$0x430] =	vst v9;
	v15 =	vor.u32 v2, v1;
	v1 =	vand.u32 $0xFFFFF000, v16;
	v2 =	vand.u32 $0xFFF, v17  }
0x38: {  	v53 =	vshrl.u32 v38, $0x1;
	v52 =	vshra.s32 v38, $0x3;
	v60 =	vld [tilespmem:$0x2D0];
	[tilespmem:$0x440] =	vst v15;
	v21 =	vor.u32 v2, v1  }
0x39: {  	v50 =	vld [tilespmem:$0xD0];
	v59 =	vshrl.u32 v44, $0x1;
	v58 =	vshra.s32 v44, $0x3;
	v61 =	vshra.s32 v48, $0x2;
	[tilespmem:$0x450] =	vst v21  }
0x3a: {  	v11 =	vld [tilespmem:$0x2E0];
	v1 =	vand.u32 $0xFFFFF000, v22;
	v2 =	vand.u32 $0xFFF, v23;
	v12 =	vshra.s32 v54, $0x2;
	[tilespmem:$0x6B0] =	vst v61  }
0x3b: {  	v19 =	vld [tilespmem:$0x110];
	v27 =	vor.u32 v2, v1;
	v1 =	vand.u32 $0xFFFFF000, v28;
	v2 =	vand.u32 $0xFFF, v29;
	[tilespmem:$0x6C0] =	vst v12  }
0x3c: {  	v17 =	vld [tilespmem:$0x2F0];
	v15 =	vshra.s32 v56, $0x3;
	v16 =	vshrl.u32 v56, $0x1;
	[tilespmem:$0x460] =	vst v27;
	v33 =	vor.u32 v2, v1  }
0x3d: {  	v49 =	vld [tilespmem:$0x160];
	v1 =	vand.u32 $0xFFFFF000, v34;
	v2 =	vand.u32 $0xFFF, v35;
	v18 =	vshra.s32 v60, $0x2;
	[tilespmem:$0x470] =	vst v33  }
0x3e: {  	v22 =	vshrl.u32 v62, $0x1;
	v23 =	vld [tilespmem:$0x300];
	v9 =	vshra.s32 v50, $0x3;
	v39 =	vor.u32 v2, v1;
	[tilespmem:$0x6D0] =	vst v18  }
0x3f: {  	v25 =	vld [tilespmem:$0x120];
	v1 =	vand.u32 $0xFFFFF000, v40;
	v2 =	vand.u32 $0xFFF, v41;
	v24 =	vshra.s32 v11, $0x2;
	[tilespmem:$0x480] =	vst v39  }
0x40: {  	v10 =	vshrl.u32 v50, $0x1;
	v21 =	vshra.s32 v62, $0x3;
	v29 =	vld [tilespmem:$0x310];
	v45 =	vor.u32 v2, v1;
	[tilespmem:$0x6E0] =	vst v24  }
0x41: {  	v55 =	vld [tilespmem:$0x170];
	v1 =	vand.u32 $0xFFFFF000, v46;
	v2 =	vand.u32 $0xFFF, v47;
	v30 =	vshra.s32 v17, $0x2;
	[tilespmem:$0x490] =	vst v45  }
0x42: {  	v28 =	vshrl.u32 v13, $0x1;
	v8 =	vshrl.u32 v49, $0x1;
	v35 =	vld [tilespmem:$0x320];
	v51 =	vor.u32 v2, v1;
	[tilespmem:$0x6F0] =	vst v30  }
0x43: {  	v31 =	vld [tilespmem:$0x130];
	v1 =	vand.u32 $0xFFFFF000, v52;
	v2 =	vand.u32 $0xFFF, v53;
	v36 =	vshra.s32 v23, $0x2;
	[tilespmem:$0x4A0] =	vst v51  }
0x44: {  	v27 =	vshra.s32 v13, $0x3;
	v34 =	vshrl.u32 v19, $0x1;
	v41 =	vld [tilespmem:$0x330];
	v57 =	vor.u32 v2, v1;
	[tilespmem:$0x700] =	vst v36  }
0x45: {  	v37 =	vld [tilespmem:$0x140];
	v1 =	vand.u32 $0xFFFFF000, v58;
	v2 =	vand.u32 $0xFFF, v59;
	v42 =	vshra.s32 v29, $0x2;
	[tilespmem:$0x4B0] =	vst v57  }
0x46: {  	v13 =	vshra.s32 v55, $0x3;
	v33 =	vshra.s32 v19, $0x3;
	v47 =	vld [tilespmem:$0x340];
	v63 =	vor.u32 v2, v1;
	[tilespmem:$0x710] =	vst v42  }
0x47: {  	v43 =	vld [tilespmem:$0x150];
	v1 =	vand.u32 $0xFFFFF000, v9;
	v2 =	vand.u32 $0xFFF, v10;
	v48 =	vshra.s32 v35, $0x2;
	[tilespmem:$0x4C0] =	vst v63  }
0x48: {  	v40 =	vshrl.u32 v25, $0x1;
	v39 =	vshra.s32 v25, $0x3;
	v53 =	vld [tilespmem:$0x350];
	v14 =	vor.u32 v2, v1;
	[tilespmem:$0x720] =	vst v48  }
0x49: {  	v61 =	vld [tilespmem:$0x180];
	v1 =	vand.u32 $0xFFFFF000, v15;
	v2 =	vand.u32 $0xFFF, v16;
	v54 =	vshra.s32 v41, $0x2;
	[tilespmem:$0x4D0] =	vst v14  }
0x4a: {  	v46 =	vshrl.u32 v31, $0x1;
	v45 =	vshra.s32 v31, $0x3;
	v59 =	vld [tilespmem:$0x360];
	v20 =	vor.u32 v2, v1;
	[tilespmem:$0x730] =	vst v54  }
0x4b: {  	v1 =	vand.u32 $0xFFFFF000, v21;
	v2 =	vand.u32 $0xFFF, v22;
	v60 =	vshra.s32 v47, $0x2;
	[tilespmem:$0x4E0] =	vst v20  }
0x4c: {  	v52 =	vshrl.u32 v37, $0x1;
	v51 =	vshra.s32 v37, $0x3;
	v9 =	vld [tilespmem:$0x370];
	v26 =	vor.u32 v2, v1;
	[tilespmem:$0x740] =	vst v60  }
0x4d: {  	v11 =	vld [tilespmem:$0x190];
	v1 =	vand.u32 $0xFFFFF000, v27;
	v2 =	vand.u32 $0xFFF, v28;
	v10 =	vshra.s32 v53, $0x2;
	[tilespmem:$0x4F0] =	vst v26  }
0x4e: {  	v58 =	vshrl.u32 v43, $0x1;
	v19 =	vshra.s32 v61, $0x3;
	v15 =	vld [tilespmem:$0x380];
	v32 =	vor.u32 v2, v1;
	[tilespmem:$0x750] =	vst v10  }
0x4f: {  	v17 =	vld [tilespmem:$0x1A0];
	v1 =	vand.u32 $0xFFFFF000, v33;
	v2 =	vand.u32 $0xFFF, v34;
	v16 =	vshra.s32 v59, $0x2;
	[tilespmem:$0x500] =	vst v32  }
0x50: {  	v57 =	vshra.s32 v43, $0x3;
	v63 =	vshra.s32 v49, $0x3;
	v21 =	vld [tilespmem:$0x390];
	v38 =	vor.u32 v2, v1;
	[tilespmem:$0x760] =	vst v16  }
0x51: {  	v23 =	vld [tilespmem:$0x1B0];
	v1 =	vand.u32 $0xFFFFF000, v39;
	v2 =	vand.u32 $0xFFF, v40;
	v22 =	vshra.s32 v9, $0x2;
	[tilespmem:$0x510] =	vst v38  }
0x52: {  	v25 =	vshra.s32 v11, $0x3;
	v14 =	vshrl.u32 v55, $0x1;
	v27 =	vld [tilespmem:$0x3A0];
	v44 =	vor.u32 v2, v1;
	[tilespmem:$0x770] =	vst v22  }
0x53: {  	v29 =	vld [tilespmem:$0x1C0];
	v1 =	vand.u32 $0xFFFFF000, v45;
	v2 =	vand.u32 $0xFFF, v46;
	v28 =	vshra.s32 v15, $0x2;
	[tilespmem:$0x520] =	vst v44  }
0x54: {  	v31 =	vshra.s32 v17, $0x3;
	v20 =	vshrl.u32 v61, $0x1;
	v33 =	vld [tilespmem:$0x3B0];
	v50 =	vor.u32 v2, v1;
	[tilespmem:$0x780] =	vst v28  }
0x55: {  	v35 =	vld [tilespmem:$0x1D0];
	v1 =	vand.u32 $0xFFFFF000, v51;
	v2 =	vand.u32 $0xFFF, v52;
	v34 =	vshra.s32 v21, $0x2;
	[tilespmem:$0x530] =	vst v50  }
0x56: {  	v37 =	vshra.s32 v23, $0x3;
	v26 =	vshrl.u32 v11, $0x1;
	v39 =	vld [tilespmem:$0x3C0];
	v56 =	vor.u32 v2, v1;
	[tilespmem:$0x790] =	vst v34  }
0x57: {  	v41 =	vld [tilespmem:$0x1E0];
	v1 =	vand.u32 $0xFFFFF000, v57;
	v2 =	vand.u32 $0xFFF, v58;
	v40 =	vshra.s32 v27, $0x2;
	[tilespmem:$0x540] =	vst v56  }
0x58: {  	v43 =	vshra.s32 v29, $0x3;
	v32 =	vshrl.u32 v17, $0x1;
	v45 =	vld [tilespmem:$0x3D0];
	v62 =	vor.u32 v2, v1;
	[tilespmem:$0x7A0] =	vst v40  }
0x59: {  	v47 =	vld [tilespmem:$0x1F0];
	v1 =	vand.u32 $0xFFFFF000, v63;
	v2 =	vand.u32 $0xFFF, v8;
	v46 =	vshra.s32 v33, $0x2;
	[tilespmem:$0x550] =	vst v62  }
0x5a: {  	v49 =	vshra.s32 v35, $0x3;
	v38 =	vshrl.u32 v23, $0x1;
	v51 =	vld [tilespmem:$0x3E0];
	v12 =	vor.u32 v2, v1;
	[tilespmem:$0x7B0] =	vst v46  }
0x5b: {  	v1 =	vand.u32 $0xFFFFF000, v13;
	v2 =	vand.u32 $0xFFF, v14;
	v52 =	vshra.s32 v39, $0x2;
	[tilespmem:$0x560] =	vst v12  }
0x5c: {  	v54 =	vshra.s32 v41, $0x3;
	v55 =	vshrl.u32 v41, $0x1;
	v18 =	vor.u32 v2, v1;
	[tilespmem:$0x7C0] =	vst v52  }
0x5d: {  	v56 =	vld [tilespmem:$0x3F0];
	v1 =	vand.u32 $0xFFFFF000, v19;
	v2 =	vand.u32 $0xFFF, v20;
	v57 =	vshra.s32 v45, $0x2;
	[tilespmem:$0x570] =	vst v18  }
0x5e: {  	v44 =	vshrl.u32 v29, $0x1;
	v59 =	vshra.s32 v47, $0x3;
	v24 =	vor.u32 v2, v1;
	[tilespmem:$0x7D0] =	vst v57  }
0x5f: {  	v1 =	vand.u32 $0xFFFFF000, v25;
	v2 =	vand.u32 $0xFFF, v26;
	v61 =	vshra.s32 v51, $0x2;
	[tilespmem:$0x580] =	vst v24  }
0x60: {  	v30 =	vor.u32 v2, v1;
	v1 =	vand.u32 $0xFFFFF000, v31;
	v2 =	vand.u32 $0xFFF, v32;
	[tilespmem:$0x7E0] =	vst v61  }
0x61: {  	v60 =	vshrl.u32 v47, $0x1;
	v50 =	vshrl.u32 v35, $0x1;
	[tilespmem:$0x590] =	vst v30;
	v36 =	vor.u32 v2, v1  }
0x62: {  	v1 =	vand.u32 $0xFFFFF000, v37;
	v2 =	vand.u32 $0xFFF, v38;
	v63 =	vshra.s32 v56, $0x2;
	[tilespmem:$0x5A0] =	vst v36  }
0x63: {  	v42 =	vor.u32 v2, v1;
	v1 =	vand.u32 $0xFFFFF000, v43;
	v2 =	vand.u32 $0xFFF, v44;
	[tilespmem:$0x7F0] =	vst v63  }
0x64: {  	[tilespmem:$0x5B0] =	vst v42;
	v48 =	vor.u32 v2, v1;
	v1 =	vand.u32 $0xFFFFF000, v49;
	v2 =	vand.u32 $0xFFF, v50  }
0x65: {  	[tilespmem:$0x5C0] =	vst v48;
	v53 =	vor.u32 v2, v1;
	v1 =	vand.u32 $0xFFFFF000, v54;
	v2 =	vand.u32 $0xFFF, v55  }
0x66: {  	[tilespmem:$0x5D0] =	vst v53;
	v58 =	vor.u32 v2, v1;
	v1 =	vand.u32 $0xFFFFF000, v59;
	v2 =	vand.u32 $0xFFF, v60  }
0x67: {  	[tilespmem:$0x5E0] =	vst v58;
	v62 =	vor.u32 v2, v1  }
0x68: {  	[tilespmem:$0x5F0] =	vst v62  }
0x69: {  	[tilespmem:s14], [sflag:$0x1] =	stream.indirect.gather [hbm4b:s4+s12], $0x80, s13, s12, $0xb8;
	[tilespmem:$0x18800] =	vst v63  }
0x6a: {  	_ = 	snop  }
0x6b: {  	[tilespmem:s17], [sflag:$0x2] =	stream.indirect.gather [hbm4b:s1+s15], $0x80, s16, s15, $0xb8;
	[tilespmem:$0x18800] =	vst v63  }
0x6c: {  	_ =	swait.ge [sflag:s18], $0x8000  }
0x6d: {  	[sflag:s18] =	ssyncset.done $0x0  }
0x6e: {  	[sflag:s18] =	ssyncadd.s32 $0xFFFF8000  }
0x6f: {  	[hbm4b:s7+s3] =	stream.linear.scatter [tilespmem:s17], [sflag:$0x3], $0x8000, $0x38;
	[tilespmem:$0x18800] =	vst v63  }
0x70: {  	_ =	swait.ge [sflag:s11], $0x8000  }
0x71: {  	[sflag:s11] =	ssyncset.done $0x0  }
0x72: {  	[sflag:s11] =	ssyncadd.s32 $0xFFFF8000  }
0x73: {  	[tilespmem:s17], [sflag:$0x2] =	stream.indirect.gather [hbm4b:s1+s15], $0x80, s19, s15, $0xb8;
	[tilespmem:$0x18800] =	vst v63  }
0x74: {  	_ =	swait.ge [sflag:s18], $0x8000  }
0x75: {  	[sflag:s18] =	ssyncset.done $0x0  }
0x76: {  	[sflag:s18] =	ssyncadd.s32 $0xFFFF8000  }
0x77: {  	[hbm4b:s8+s3] =	stream.linear.scatter [tilespmem:s17], [sflag:$0x3], $0x8000, $0x38;
	[tilespmem:$0x18800] =	vst v63  }
0x78: {  	_ =	swait.ge [sflag:s11], $0x8000  }
0x79: {  	[sflag:s11] =	ssyncset.done $0x0  }
0x7a: {  	[sflag:s11] =	ssyncadd.s32 $0xFFFF8000  }
0x7b: {  	_ =	swait.ge [sflag:s20], $0x10000  }
0x7c: {  	p0 =	sne.s32 s10, $0x1;
	[sflag:s20] =	ssyncset.done $0x0  }
.Ltmp0:
0x7d: {  	[sflag:s20] =	ssyncadd.s32 $0xFFFF0000;
	(pc) =	sbr.rel @p0 .LBB2_1-.Ltmp0, $4  }
0x7e: {  	[hbm4b:s9+s3] =	stream.linear.scatter [tilespmem:s14], [sflag:$0x3], $0x10000, $0x38;
	[tilespmem:$0x18800] =	vst v63  }
0x7f: {  	_ =	swait.ge [sflag:s11], $0x10000  }
0x80: {  	[sflag:s11] =	ssyncset.done $0x0  }
0x81: {  	s10 =	sadd.s32 $0xFFFFFFFF, s10;
	[sflag:s11] =	ssyncadd.s32 $0xFFFF0000  }
0x82: {  	_ =	sfence.sel $0x180000  }
0x83: {  	[bflag:$0x0] =	sbarrier.arrive $0xFFFF  }
0x84: {  	p0 =	sne.s32 s2, $0x0;
	_ =	strace $0x90000047  }
0x85: {  	s0 =	sadd.s32 @!p0 $0x100000, s0;
	[bflag:$0x2] =	sbarrier.arrive $0xFFFF  }
0x86: {  	[sflag:s0] =	ssyncadd.tile.s32 @!p0 $0x1;
	_ =	shalt  }
.Lfunc_end2:
_tile_overlayer_lowered:
.L_overlay_start_2:
0x87: {  	(tag) =	ssettag $0x2  }
0x88: {  	s0 =	rddreg [dreg:$0x0];
	s2 =	stileid.u32  }
0x89: {  	s1 =	rddreg [dreg:$0x1];
	p0 =	sne.s32 s2, $0x0  }
0x8a: {  	s3 =	rddreg [dreg:$0x2];
	[bflag:$0x3] =	sbarrier.arrive $0xFFFF;
	s2 =	simm.s32 @!p0 $0x1C03  }
0x8b: {  	[timem:s3], [sflag:s2] =	dma.local @!p0 [hbm:s0], s1  }
0x8c: {  	s0 =	simm.s32 @!p0 $0x3  }
0x8d: {  	_ =	swait.ge @!p0 [sflag:s0], s1  }
0x8e: {  	s1 =	ssub.s32 @!p0 $0x0, s1;
	[sflag:s0] =	ssyncset.done @!p0 $0x0  }
0x8f: {  	[sflag:s0] =	ssyncadd.s32 @!p0 s1  }
0x90: {  	[bflag:$0x3] =	sbarrier.arrive $0xFFFF  }
0x91: {  	_ =	shalt  }

</sc_bundles>
